<compile_context>
chip_gen: v7x
topology: tpu7x:2x2x1
jax: 0.10.2.dev20260603
libtpu: 0.0.44.dev20260713+nightly
codegen_flags: <defaults>
</compile_context>

<pallas_src>
import functools

import jax
import jax.numpy as jnp
from jax import lax
from jax.experimental import pallas as pl
from jax.experimental.pallas import tpu as pltpu
from jax.experimental.pallas import tpu_sc as plsc

_B = 16
_S = 2048
_NHMM = 30
_HID = 256
_CH = 128
_S_PAD = _S + 8
_NC = 2
_NS = 16
_HALF = _S // 2
_CHUNK = 128
_NCHUNK = _HALF // _CHUNK


def _prep_body(xr_ref, seq_ref, ss_ref, feat_ref, mask_ref):
    xr = xr_ref[0]
    ch0 = xr[0:1, :]
    rest = xr[1:21, :]
    mx = jnp.max(rest, axis=0, keepdims=True)
    mask_ref[0] = (mx > ch0).astype(jnp.int32)
    rows = jnp.concatenate(
        [rest, seq_ref[...], ss_ref[...],
         jnp.zeros((64 - 53, _S), jnp.float32)], axis=0)
    feat_ref[:, 0:64] = rows.T
    feat_ref[:, 64:128] = jnp.zeros((_S, 64), jnp.float32)


def _prep(xr, seq_hmm, ss_hmm):
    return pl.pallas_call(
        _prep_body,
        grid=(_B,),
        in_specs=[
            pl.BlockSpec((1, 21, _S), lambda b: (b, 0, 0)),
            pl.BlockSpec((_NHMM, _S), lambda b: (0, 0)),
            pl.BlockSpec((3, _S), lambda b: (0, 0)),
        ],
        out_specs=[
            pl.BlockSpec((_S, _CH), lambda b: (b, 0)),
            pl.BlockSpec((1, 1, _S), lambda b: (b, 0, 0)),
        ],
        out_shape=[
            jax.ShapeDtypeStruct((_B * _S, _CH), jnp.float32),
            jax.ShapeDtypeStruct((_B, 1, _S), jnp.int32),
        ],
    )(xr, seq_hmm, ss_hmm)


_NBUF = 4


def _compact_body(mask_hbm, feats_hbm, out_hbm, mask_v, dest_v, rows_v,
                  *sems):
    wid = lax.axis_index("c") * _NS + lax.axis_index("s")
    b = wid // 2
    half = wid % 2
    gsems = sems[:_NBUF]
    ssems = sems[_NBUF:]

    src0 = b * _S + half * _HALF

    def _gather(j):
        return pltpu.async_copy(
            feats_hbm.at[pl.ds(src0 + j * _CHUNK, _CHUNK)],
            rows_v.at[j % _NBUF], gsems[j % _NBUF])

    descs_g = [None] * _NCHUNK
    for j in range(_NBUF):
        descs_g[j] = _gather(j)

    m_own = pltpu.async_copy(mask_hbm.at[b, pl.ds(half * _HALF, _HALF)],
                             mask_v.at[pl.ds(0, _HALF)], ssems[0])
    m_low = pltpu.async_copy(mask_hbm.at[b, pl.ds(0, _HALF)],
                             mask_v.at[pl.ds(_HALF, _HALF)], ssems[1])
    m_own.wait()
    m_low.wait()

    def _count(i, acc):
        return acc + mask_v[pl.ds(_HALF + i * 16, 16)]
    accv = lax.fori_loop(0, _HALF // 16, _count, jnp.zeros((16,), jnp.int32))
    base0 = half * jnp.sum(accv)

    dump = b * _S_PAD + _S

    def _dest(i, base):
        ms = [mask_v[pl.ds((4 * i + q) * 16, 16)] for q in range(4)]
        cs = [plsc.cumsum(mq) for mq in ms]
        ts = [jnp.max(cq) for cq in cs]
        for q in range(4):
            d = jnp.where(ms[q] != 0, b * _S_PAD + base + cs[q] - 1, dump)
            dest_v[(4 * i + q) // 8, pl.ds(((4 * i + q) % 8) * 16, 16)] = d
            base = base + ts[q]
        return base
    lax.fori_loop(0, _HALF // 64, _dest, base0)

    descs_s = [None] * _NCHUNK
    for j in range(_NCHUNK):
        descs_g[j].wait()
        if j + 1 < _NCHUNK and descs_g[j + 1] is None:
            descs_s[j + 1 - _NBUF].wait()
            descs_g[j + 1] = _gather(j + 1)
        descs_s[j] = pltpu.async_copy(rows_v.at[j % _NBUF],
                                      out_hbm.at[dest_v.at[j]],
                                      ssems[j % _NBUF])
    for j in range(_NCHUNK - _NBUF, _NCHUNK):
        descs_s[j].wait()


@functools.lru_cache(maxsize=1)
def _compact_call():
    return pl.kernel(
        _compact_body,
        out_type=jax.ShapeDtypeStruct((_B * _S_PAD, _CH), jnp.float32),
        mesh=plsc.VectorSubcoreMesh(core_axis_name="c", subcore_axis_name="s",
                                    num_cores=_NC, num_subcores=_NS),
        scratch_types=[
            pltpu.VMEM((_S,), jnp.int32),
            pltpu.VMEM((_NCHUNK, _CHUNK), jnp.int32),
            pltpu.VMEM((_NBUF, _CHUNK, _CH), jnp.float32),
        ] + [pltpu.SemaphoreType.DMA] * (2 * _NBUF),
        compiler_params=pltpu.CompilerParams(needs_layout_passes=False,
                                             use_tc_tiling_on_sc=False),
    )


def _compact(mask2, feats2):
    return _compact_call()(mask2, feats2)


def _shift(a, d):
    if d == 0:
        return a
    z = jnp.zeros((abs(d), a.shape[1]), a.dtype)
    if d > 0:
        return jnp.concatenate([a[d:], z], axis=0)
    return jnp.concatenate([z, a[:d]], axis=0)


def _shift_lane(a, d):
    if d == 0:
        return a
    z = jnp.zeros((a.shape[0], abs(d)), a.dtype)
    if d > 0:
        return jnp.concatenate([a[:, d:], z], axis=1)
    return jnp.concatenate([z, a[:, :d]], axis=1)


def _model_body(comp_ref, mask_ref, w1_ref, b1_ref, w2_ref, b2_ref, out_ref):
    comp = comp_ref[0:_S, 0:64]
    m = mask_ref[0, 0, :]
    ls = jnp.sum(m)
    pos = lax.broadcasted_iota(jnp.int32, (_S, 1), 0)
    valid = pos < ls
    zf = jnp.where(valid, comp, 0.0)

    zb = zf.astype(jnp.bfloat16)
    x5 = jnp.concatenate([_shift(zb, d) for d in (-2, -1, 0, 1, 2)], axis=1)
    h = jnp.dot(x5, w1_ref[...].astype(jnp.bfloat16),
                preferred_element_type=jnp.float32)
    h = jnp.maximum(h + b1_ref[...], 0.0)

    yt = lax.dot_general(w2_ref[...], h, (((1,), (1,)), ((), ())),
                         preferred_element_type=jnp.float32)
    lt = _shift_lane(yt[0:3, :], -2)
    for k in range(1, 5):
        lt = lt + _shift_lane(yt[3 * k:3 * k + 3, :], k - 2)
    lt = lt + b2_ref[0, 0:3][:, None]

    e = jnp.exp(lt)
    den = e[0:1, :] + e[1:2, :] + e[2:3, :]
    w3t = zf[:, 48:56].T
    num = (w3t[2:3, :] * e[0:1, :] + w3t[3:4, :] * e[1:2, :]
           + w3t[4:5, :] * e[2:3, :])
    contrib = jnp.sum(num / den)
    a = jnp.log(contrib / ls.astype(jnp.float32))
    out_ref[0, 0, :] = jnp.full((128,), a, jnp.float32)


def _model(comp2, mask3, w1all, b1r, w2t16, b2r):
    return pl.pallas_call(
        _model_body,
        grid=(_B,),
        in_specs=[
            pl.BlockSpec((_S_PAD, _CH), lambda b: (b, 0)),
            pl.BlockSpec((1, 1, _S), lambda b: (b, 0, 0)),
            pl.BlockSpec((320, _HID), lambda b: (0, 0)),
            pl.BlockSpec((1, _HID), lambda b: (0, 0)),
            pl.BlockSpec((16, _HID), lambda b: (0, 0)),
            pl.BlockSpec((1, 128), lambda b: (0, 0)),
        ],
        out_specs=pl.BlockSpec((1, 1, 128), lambda b: (b, 0, 0)),
        out_shape=jax.ShapeDtypeStruct((_B, 1, 128), jnp.float32),
    )(comp2, mask3, w1all, b1r, w2t16, b2r)


def kernel(x, seq_hmm, ss_hmm, W1, b1, W2, b2):
    xr = x.reshape(_B, 21, _S)

    w1t = jnp.transpose(W1, (2, 1, 0))
    w1all = jnp.pad(w1t, ((0, 0), (0, 14), (0, 0))).reshape(320, _HID)
    b1r = b1[None, :]
    w2t = jnp.transpose(W2, (2, 0, 1)).reshape(15, _HID)
    w2t16 = jnp.pad(w2t, ((0, 1), (0, 0)))
    b2r = jnp.pad(b2, (0, 125))[None, :]

    feats, mask3 = _prep(xr, seq_hmm, ss_hmm)
    comp = _compact(mask3.reshape(_B, _S), feats)
    out = _model(comp, mask3, w1all, b1r, w2t16, b2r)
    return out[:, 0, 0]

# --- scband reference (transcript-rebuilt; emitter-appended) ---
"""Pipeline reference for scband-quick-pattern-matching-loss-3599182594549 (READ-ONLY COPY).

The authoritative reference and input builder live on the scoring server;
editing this copy changes nothing except your own understanding.
"""

import jax, jax.numpy as jnp
import numpy as np

B = 16
SIZE = 2048
NHMM = 30
HID = 256
K = 5


def _conv1d(x, w, b):
    out = jax.lax.conv_general_dilated(
        x, w, window_strides=(1,), padding='SAME',
        dimension_numbers=('NCH', 'OIH', 'NCH'))
    return out + b[None, :, None]


def _model_ss3(hmm, W1, b1, W2, b2):
    h = jax.nn.relu(_conv1d(hmm, W1, b1))
    logits = _conv1d(h, W2, b2)
    return (None, None, logits)


def setup_inputs(seed: int = 0) -> dict:
    key = jax.random.key(seed)
    ks = jax.random.split(key, 6)
    x = jax.random.normal(ks[0], (B, 21 * SIZE), dtype=jnp.float32)
    seq_hmm = jax.random.normal(ks[1], (NHMM, SIZE), dtype=jnp.float32)
    ss_hmm = jax.nn.softmax(jax.random.normal(ks[2], (3, SIZE), dtype=jnp.float32), axis=0)
    W1 = jax.random.normal(ks[3], (HID, 20 + NHMM, K), dtype=jnp.float32) * 0.05
    b1 = jnp.zeros((HID,), dtype=jnp.float32)
    W2 = jax.random.normal(ks[4], (3, HID, K), dtype=jnp.float32) * 0.05
    b2 = jnp.zeros((3,), dtype=jnp.float32)
    return {"x": x, "seq_hmm": seq_hmm, "ss_hmm": ss_hmm,
            "W1": W1, "b1": b1, "W2": W2, "b2": b2}


def reference(x, seq_hmm, ss_hmm, W1, b1, W2, b2):
    batch_size = x.shape[0]
    xr = x.reshape(batch_size, 21, SIZE)
    # idx = positions where argmax over channels != 0 (non-gap positions)
    mask = (jnp.argmax(xr, axis=1) != 0)                       # [B, S] bool
    ls = mask.sum(axis=1)                                      # [B] int
    pos = jnp.arange(SIZE)
    # stable compaction: valid positions first, preserving order (== torch.where gather)
    sort_key = jnp.where(mask, pos, SIZE + pos)                # [B, S]
    order = jnp.argsort(sort_key, axis=1)                      # [B, S]
    valid = (pos[None, :] < ls[:, None]).astype(x.dtype)       # [B, S]
    # hmm[i, :20, :n] = x_[1:, idx]
    xg = jnp.take_along_axis(xr[:, 1:, :], order[:, None, :], axis=2)   # [B, 20, S]
    # hmm[i, 20:, :n] = SEQ_HMM[:, idx]
    seq_g = jnp.transpose(seq_hmm[:, order], (1, 0, 2))        # [B, NHMM, S]
    # weights[i, :, :n] = SS_HMM[:, idx]
    ss_g = jnp.transpose(ss_hmm[:, order], (1, 0, 2))          # [B, 3, S]
    hmm = jnp.concatenate([xg, seq_g], axis=1) * valid[:, None, :]      # [B, 50, S]
    weights = ss_g * valid[:, None, :]                         # [B, 3, S]
    logits = _model_ss3(hmm, W1, b1, W2, b2)[2]                # [B, 3, S]
    p_ss3 = jax.nn.softmax(logits, axis=1)
    a = jnp.log((weights * p_ss3).reshape(batch_size, -1).sum(-1) / ls)
    return a

if __name__ == "__main__":
    import jax
    _d = setup_inputs()
    print(jax.jit(kernel)(*tuple(_d.values())))

</pallas_src>

<mosaic_0001>
#map = affine_map<(d0, d1) -> (0, 0)>
module attributes {stable_mosaic.version = 14 : i64} {
  func.func @_compact_body(%arg0: i32, %arg1: i32, %arg2: memref<16x2048xi32, #tpu.memory_space<hbm>>, %arg3: memref<32768x128xf32, #tpu.memory_space<hbm>>, %arg4: memref<32896x128xf32, #tpu.memory_space<hbm>>, %arg5: memref<2048xi32, #tpu.memory_space<vmem>>, %arg6: memref<8x128xi32, #tpu.memory_space<vmem>>, %arg7: memref<4x128x128xf32, #tpu.memory_space<vmem>>, %arg8: memref<!tpu.dma_semaphore, #tpu.memory_space<semaphore_mem>>, %arg9: memref<!tpu.dma_semaphore, #tpu.memory_space<semaphore_mem>>, %arg10: memref<!tpu.dma_semaphore, #tpu.memory_space<semaphore_mem>>, %arg11: memref<!tpu.dma_semaphore, #tpu.memory_space<semaphore_mem>>, %arg12: memref<!tpu.dma_semaphore, #tpu.memory_space<semaphore_mem>>, %arg13: memref<!tpu.dma_semaphore, #tpu.memory_space<semaphore_mem>>, %arg14: memref<!tpu.dma_semaphore, #tpu.memory_space<semaphore_mem>>, %arg15: memref<!tpu.dma_semaphore, #tpu.memory_space<semaphore_mem>>) attributes {dimension_semantics = [#tpu.dimension_semantics<core_parallel>, #tpu.dimension_semantics<subcore_parallel>], iteration_bounds = array<i64: 2, 16>, scalar_prefetch = 0 : i64, scratch_operands = 11 : i64, tpu.core_type = #tpu.core_type<sc_vector_subcore>, window_params = [{transform_indices = #map}, {transform_indices = #map}, {transform_indices = #map}]} {
    %mul3A = arith.constant 16 : i32
    %mul3A_0 = arith.muli %arg0, %mul3A : i32
    %add3A = arith.addi %mul3A_0, %arg1 : i32
    %jit3A = arith.constant 2 : i32
    %div3A = arith.divsi %add3A, %jit3A : i32
    %sign3A = arith.constant 0 : i32
    %sign3A_1 = arith.cmpi sgt, %add3A, %sign3A : i32
    %sign3A_2 = arith.extui %sign3A_1 : i1 to i32
    %sign3A_3 = arith.constant 0 : i32
    %sign3A_4 = arith.cmpi slt, %add3A, %sign3A_3 : i32
    %sign3A_5 = arith.extui %sign3A_4 : i1 to i32
    %sign3A_6 = arith.subi %sign3A_2, %sign3A_5 : i32
    %sign3A_7 = arith.constant 0 : i32
    %sign3A_8 = arith.cmpi sgt, %jit3A, %sign3A_7 : i32
    %sign3A_9 = arith.extui %sign3A_8 : i1 to i32
    %sign3A_10 = arith.constant 0 : i32
    %sign3A_11 = arith.cmpi slt, %jit3A, %sign3A_10 : i32
    %sign3A_12 = arith.extui %sign3A_11 : i1 to i32
    %sign3A_13 = arith.subi %sign3A_9, %sign3A_12 : i32
    %ne3A = arith.cmpi ne, %sign3A_6, %sign3A_13 : i32
    %rem3A = arith.remsi %add3A, %jit3A : i32
    %ne3A_14 = arith.constant 0 : i32
    %ne3A_15 = arith.cmpi ne, %rem3A, %ne3A_14 : i32
    %and3A = arith.andi %ne3A, %ne3A_15 : i1
    %sub3A = arith.constant 1 : i32
    %sub3A_16 = arith.subi %div3A, %sub3A : i32
    %select_n3A = arith.select %and3A, %sub3A_16, %div3A : i32
    %jit3A_17 = arith.constant 2 : i32
    %eq3A = arith.constant 0 : i32
    %eq3A_18 = arith.cmpi eq, %jit3A_17, %eq3A : i32
    %jit3A_19 = arith.constant 1 : i32
    %select_n3A_20 = arith.select %eq3A_18, %jit3A_19, %jit3A_17 : i32
    %rem3A_21 = arith.remsi %add3A, %select_n3A_20 : i32
    %ne3A_22 = arith.constant 0 : i32
    %ne3A_23 = arith.cmpi ne, %rem3A_21, %ne3A_22 : i32
    %lt3A = arith.constant 0 : i32
    %lt3A_24 = arith.cmpi slt, %rem3A_21, %lt3A : i32
    %lt3A_25 = arith.constant 0 : i32
    %lt3A_26 = arith.cmpi slt, %select_n3A_20, %lt3A_25 : i32
    %ne3A_27 = arith.xori %lt3A_24, %lt3A_26 : i1
    %and3A_28 = arith.andi %ne3A_27, %ne3A_23 : i1
    %add3A_29 = arith.addi %rem3A_21, %select_n3A_20 : i32
    %select_n3A_30 = arith.select %and3A_28, %add3A_29, %rem3A_21 : i32
    %mul3A_31 = arith.constant 2048 : i32
    %mul3A_32 = arith.muli %select_n3A, %mul3A_31 : i32
    %mul3A_33 = arith.constant 1024 : i32
    %mul3A_34 = arith.muli %select_n3A_30, %mul3A_33 : i32
    %add3A_35 = arith.addi %mul3A_32, %mul3A_34 : i32
    %add3A_36 = arith.constant 0 : i32
    %add3A_37 = arith.addi %add3A_35, %add3A_36 : i32
    %dma_start3A = arith.constant 0 : i32
    %dma_start3A_38 = arith.constant 0 : i32
    %dma_start3A_39 = arith.constant 0 : i32
    %dma_start3A_40 = tpu.memref_slice %arg7[%dma_start3A, %dma_start3A_38, %dma_start3A_39] : memref<4x128x128xf32, #tpu.memory_space<vmem>> -> memref<1x128x128xf32, #tpu.memory_space<vmem>>
    %dma_start3A_41 = tpu.memref_squeeze %dma_start3A_40 : memref<1x128x128xf32, #tpu.memory_space<vmem>> -> memref<128x128xf32, #tpu.memory_space<vmem>>
    %dma_start3A_42 = arith.constant 0 : i32
    %dma_start3A_43 = tpu.memref_slice %arg3[%add3A_37, %dma_start3A_42] : memref<32768x128xf32, #tpu.memory_space<hbm>> -> memref<128x128xf32, #tpu.memory_space<hbm>>
    %dma_start3A_44 = arith.constant 0 : i32
    %dma_start3A_45 = arith.constant 0 : i32
    %dma_start3A_46 = tpu.memref_slice %arg7[%dma_start3A, %dma_start3A_44, %dma_start3A_45] : memref<4x128x128xf32, #tpu.memory_space<vmem>> -> memref<1x128x128xf32, #tpu.memory_space<vmem>>
    %dma_start3A_47 = tpu.memref_squeeze %dma_start3A_46 : memref<1x128x128xf32, #tpu.memory_space<vmem>> -> memref<128x128xf32, #tpu.memory_space<vmem>>
    %dma_start3A_48 = arith.constant 0 : i32
    %dma_start3A_49 = tpu.memref_slice %arg3[%add3A_37, %dma_start3A_48] : memref<32768x128xf32, #tpu.memory_space<hbm>> -> memref<128x128xf32, #tpu.memory_space<hbm>>
    tpu.enqueue_dma source(%dma_start3A_49 : memref<128x128xf32, #tpu.memory_space<hbm>>) target(%dma_start3A_47 : memref<128x128xf32, #tpu.memory_space<vmem>>) target_semaphore(%arg8 : memref<!tpu.dma_semaphore, #tpu.memory_space<semaphore_mem>>)
    %add3A_50 = arith.constant 128 : i32
    %add3A_51 = arith.addi %add3A_35, %add3A_50 : i32
    %dma_start3A_52 = arith.constant 1 : i32
    %dma_start3A_53 = arith.constant 0 : i32
    %dma_start3A_54 = arith.constant 0 : i32
    %dma_start3A_55 = tpu.memref_slice %arg7[%dma_start3A_52, %dma_start3A_53, %dma_start3A_54] : memref<4x128x128xf32, #tpu.memory_space<vmem>> -> memref<1x128x128xf32, #tpu.memory_space<vmem>>
    %dma_start3A_56 = tpu.memref_squeeze %dma_start3A_55 : memref<1x128x128xf32, #tpu.memory_space<vmem>> -> memref<128x128xf32, #tpu.memory_space<vmem>>
    %dma_start3A_57 = arith.constant 0 : i32
    %dma_start3A_58 = tpu.memref_slice %arg3[%add3A_51, %dma_start3A_57] : memref<32768x128xf32, #tpu.memory_space<hbm>> -> memref<128x128xf32, #tpu.memory_space<hbm>>
    %dma_start3A_59 = arith.constant 0 : i32
    %dma_start3A_60 = arith.constant 0 : i32
    %dma_start3A_61 = tpu.memref_slice %arg7[%dma_start3A_52, %dma_start3A_59, %dma_start3A_60] : memref<4x128x128xf32, #tpu.memory_space<vmem>> -> memref<1x128x128xf32, #tpu.memory_space<vmem>>
    %dma_start3A_62 = tpu.memref_squeeze %dma_start3A_61 : memref<1x128x128xf32, #tpu.memory_space<vmem>> -> memref<128x128xf32, #tpu.memory_space<vmem>>
    %dma_start3A_63 = arith.constant 0 : i32
    %dma_start3A_64 = tpu.memref_slice %arg3[%add3A_51, %dma_start3A_63] : memref<32768x128xf32, #tpu.memory_space<hbm>> -> memref<128x128xf32, #tpu.memory_space<hbm>>
    tpu.enqueue_dma source(%dma_start3A_64 : memref<128x128xf32, #tpu.memory_space<hbm>>) target(%dma_start3A_62 : memref<128x128xf32, #tpu.memory_space<vmem>>) target_semaphore(%arg9 : memref<!tpu.dma_semaphore, #tpu.memory_space<semaphore_mem>>)
    %add3A_65 = arith.constant 256 : i32
    %add3A_66 = arith.addi %add3A_35, %add3A_65 : i32
    %dma_start3A_67 = arith.constant 2 : i32
    %dma_start3A_68 = arith.constant 0 : i32
    %dma_start3A_69 = arith.constant 0 : i32
    %dma_start3A_70 = tpu.memref_slice %arg7[%dma_start3A_67, %dma_start3A_68, %dma_start3A_69] : memref<4x128x128xf32, #tpu.memory_space<vmem>> -> memref<1x128x128xf32, #tpu.memory_space<vmem>>
    %dma_start3A_71 = tpu.memref_squeeze %dma_start3A_70 : memref<1x128x128xf32, #tpu.memory_space<vmem>> -> memref<128x128xf32, #tpu.memory_space<vmem>>
    %dma_start3A_72 = arith.constant 0 : i32
    %dma_start3A_73 = tpu.memref_slice %arg3[%add3A_66, %dma_start3A_72] : memref<32768x128xf32, #tpu.memory_space<hbm>> -> memref<128x128xf32, #tpu.memory_space<hbm>>
    %dma_start3A_74 = arith.constant 0 : i32
    %dma_start3A_75 = arith.constant 0 : i32
    %dma_start3A_76 = tpu.memref_slice %arg7[%dma_start3A_67, %dma_start3A_74, %dma_start3A_75] : memref<4x128x128xf32, #tpu.memory_space<vmem>> -> memref<1x128x128xf32, #tpu.memory_space<vmem>>
    %dma_start3A_77 = tpu.memref_squeeze %dma_start3A_76 : memref<1x128x128xf32, #tpu.memory_space<vmem>> -> memref<128x128xf32, #tpu.memory_space<vmem>>
    %dma_start3A_78 = arith.constant 0 : i32
    %dma_start3A_79 = tpu.memref_slice %arg3[%add3A_66, %dma_start3A_78] : memref<32768x128xf32, #tpu.memory_space<hbm>> -> memref<128x128xf32, #tpu.memory_space<hbm>>
    tpu.enqueue_dma source(%dma_start3A_79 : memref<128x128xf32, #tpu.memory_space<hbm>>) target(%dma_start3A_77 : memref<128x128xf32, #tpu.memory_space<vmem>>) target_semaphore(%arg10 : memref<!tpu.dma_semaphore, #tpu.memory_space<semaphore_mem>>)
    %add3A_80 = arith.constant 384 : i32
    %add3A_81 = arith.addi %add3A_35, %add3A_80 : i32
    %dma_start3A_82 = arith.constant 3 : i32
    %dma_start3A_83 = arith.constant 0 : i32
    %dma_start3A_84 = arith.constant 0 : i32
    %dma_start3A_85 = tpu.memref_slice %arg7[%dma_start3A_82, %dma_start3A_83, %dma_start3A_84] : memref<4x128x128xf32, #tpu.memory_space<vmem>> -> memref<1x128x128xf32, #tpu.memory_space<vmem>>
    %dma_start3A_86 = tpu.memref_squeeze %dma_start3A_85 : memref<1x128x128xf32, #tpu.memory_space<vmem>> -> memref<128x128xf32, #tpu.memory_space<vmem>>
    %dma_start3A_87 = arith.constant 0 : i32
    %dma_start3A_88 = tpu.memref_slice %arg3[%add3A_81, %dma_start3A_87] : memref<32768x128xf32, #tpu.memory_space<hbm>> -> memref<128x128xf32, #tpu.memory_space<hbm>>
    %dma_start3A_89 = arith.constant 0 : i32
    %dma_start3A_90 = arith.constant 0 : i32
    %dma_start3A_91 = tpu.memref_slice %arg7[%dma_start3A_82, %dma_start3A_89, %dma_start3A_90] : memref<4x128x128xf32, #tpu.memory_space<vmem>> -> memref<1x128x128xf32, #tpu.memory_space<vmem>>
    %dma_start3A_92 = tpu.memref_squeeze %dma_start3A_91 : memref<1x128x128xf32, #tpu.memory_space<vmem>> -> memref<128x128xf32, #tpu.memory_space<vmem>>
    %dma_start3A_93 = arith.constant 0 : i32
    %dma_start3A_94 = tpu.memref_slice %arg3[%add3A_81, %dma_start3A_93] : memref<32768x128xf32, #tpu.memory_space<hbm>> -> memref<128x128xf32, #tpu.memory_space<hbm>>
    tpu.enqueue_dma source(%dma_start3A_94 : memref<128x128xf32, #tpu.memory_space<hbm>>) target(%dma_start3A_92 : memref<128x128xf32, #tpu.memory_space<vmem>>) target_semaphore(%arg11 : memref<!tpu.dma_semaphore, #tpu.memory_space<semaphore_mem>>)
    %mul3A_95 = arith.constant 1024 : i32
    %mul3A_96 = arith.muli %select_n3A_30, %mul3A_95 : i32
    %dma_start3A_97 = arith.constant 0 : i32
    %dma_start3A_98 = tpu.memref_slice %arg5[%dma_start3A_97] : memref<2048xi32, #tpu.memory_space<vmem>> -> memref<1024xi32, #tpu.memory_space<vmem>>
    %dma_start3A_99 = tpu.memref_slice %arg2[%select_n3A, %mul3A_96] : memref<16x2048xi32, #tpu.memory_space<hbm>> -> memref<1x1024xi32, #tpu.memory_space<hbm>>
    %dma_start3A_100 = tpu.memref_squeeze %dma_start3A_99 : memref<1x1024xi32, #tpu.memory_space<hbm>> -> memref<1024xi32, #tpu.memory_space<hbm>>
    %dma_start3A_101 = arith.constant 0 : i32
    %dma_start3A_102 = tpu.memref_slice %arg5[%dma_start3A_101] : memref<2048xi32, #tpu.memory_space<vmem>> -> memref<1024xi32, #tpu.memory_space<vmem>>
    %dma_start3A_103 = tpu.memref_slice %arg2[%select_n3A, %mul3A_96] : memref<16x2048xi32, #tpu.memory_space<hbm>> -> memref<1x1024xi32, #tpu.memory_space<hbm>>
    %dma_start3A_104 = tpu.memref_squeeze %dma_start3A_103 : memref<1x1024xi32, #tpu.memory_space<hbm>> -> memref<1024xi32, #tpu.memory_space<hbm>>
    tpu.enqueue_dma source(%dma_start3A_104 : memref<1024xi32, #tpu.memory_space<hbm>>) target(%dma_start3A_102 : memref<1024xi32, #tpu.memory_space<vmem>>) target_semaphore(%arg12 : memref<!tpu.dma_semaphore, #tpu.memory_space<semaphore_mem>>)
    %dma_start3A_105 = arith.constant 1024 : i32
    %dma_start3A_106 = tpu.memref_slice %arg5[%dma_start3A_105] : memref<2048xi32, #tpu.memory_space<vmem>> -> memref<1024xi32, #tpu.memory_space<vmem>>
    %dma_start3A_107 = arith.constant 0 : i32
    %dma_start3A_108 = tpu.memref_slice %arg2[%select_n3A, %dma_start3A_107] : memref<16x2048xi32, #tpu.memory_space<hbm>> -> memref<1x1024xi32, #tpu.memory_space<hbm>>
    %dma_start3A_109 = tpu.memref_squeeze %dma_start3A_108 : memref<1x1024xi32, #tpu.memory_space<hbm>> -> memref<1024xi32, #tpu.memory_space<hbm>>
    %dma_start3A_110 = arith.constant 1024 : i32
    %dma_start3A_111 = tpu.memref_slice %arg5[%dma_start3A_110] : memref<2048xi32, #tpu.memory_space<vmem>> -> memref<1024xi32, #tpu.memory_space<vmem>>
    %dma_start3A_112 = arith.constant 0 : i32
    %dma_start3A_113 = tpu.memref_slice %arg2[%select_n3A, %dma_start3A_112] : memref<16x2048xi32, #tpu.memory_space<hbm>> -> memref<1x1024xi32, #tpu.memory_space<hbm>>
    %dma_start3A_114 = tpu.memref_squeeze %dma_start3A_113 : memref<1x1024xi32, #tpu.memory_space<hbm>> -> memref<1024xi32, #tpu.memory_space<hbm>>
    tpu.enqueue_dma source(%dma_start3A_114 : memref<1024xi32, #tpu.memory_space<hbm>>) target(%dma_start3A_111 : memref<1024xi32, #tpu.memory_space<vmem>>) target_semaphore(%arg13 : memref<!tpu.dma_semaphore, #tpu.memory_space<semaphore_mem>>)
    %dma_wait3A = arith.constant 0 : i32
    %dma_wait3A_115 = tpu.memref_slice %arg5[%dma_wait3A] : memref<2048xi32, #tpu.memory_space<vmem>> -> memref<1024xi32, #tpu.memory_space<vmem>>
    %dma_wait3A_116 = tpu.memref_slice %arg2[%select_n3A, %mul3A_96] : memref<16x2048xi32, #tpu.memory_space<hbm>> -> memref<1x1024xi32, #tpu.memory_space<hbm>>
    %dma_wait3A_117 = tpu.memref_squeeze %dma_wait3A_116 : memref<1x1024xi32, #tpu.memory_space<hbm>> -> memref<1024xi32, #tpu.memory_space<hbm>>
    %dma_wait3A_118 = arith.constant 0 : i32
    %dma_wait3A_119 = tpu.memref_slice %arg5[%dma_wait3A_118] : memref<2048xi32, #tpu.memory_space<vmem>> -> memref<1024xi32, #tpu.memory_space<vmem>>
    %dma_wait3A_120 = tpu.memref_slice %arg2[%select_n3A, %mul3A_96] : memref<16x2048xi32, #tpu.memory_space<hbm>> -> memref<1x1024xi32, #tpu.memory_space<hbm>>
    %dma_wait3A_121 = tpu.memref_squeeze %dma_wait3A_120 : memref<1x1024xi32, #tpu.memory_space<hbm>> -> memref<1024xi32, #tpu.memory_space<hbm>>
    tpu.wait_dma2 semaphore(%arg12 : memref<!tpu.dma_semaphore, #tpu.memory_space<semaphore_mem>>) src(%dma_wait3A_121 : memref<1024xi32, #tpu.memory_space<hbm>>) dst(%dma_wait3A_119 : memref<1024xi32, #tpu.memory_space<vmem>>)
    %dma_wait3A_122 = arith.constant 1024 : i32
    %dma_wait3A_123 = tpu.memref_slice %arg5[%dma_wait3A_122] : memref<2048xi32, #tpu.memory_space<vmem>> -> memref<1024xi32, #tpu.memory_space<vmem>>
    %dma_wait3A_124 = arith.constant 0 : i32
    %dma_wait3A_125 = tpu.memref_slice %arg2[%select_n3A, %dma_wait3A_124] : memref<16x2048xi32, #tpu.memory_space<hbm>> -> memref<1x1024xi32, #tpu.memory_space<hbm>>
    %dma_wait3A_126 = tpu.memref_squeeze %dma_wait3A_125 : memref<1x1024xi32, #tpu.memory_space<hbm>> -> memref<1024xi32, #tpu.memory_space<hbm>>
    %dma_wait3A_127 = arith.constant 1024 : i32
    %dma_wait3A_128 = tpu.memref_slice %arg5[%dma_wait3A_127] : memref<2048xi32, #tpu.memory_space<vmem>> -> memref<1024xi32, #tpu.memory_space<vmem>>
    %dma_wait3A_129 = arith.constant 0 : i32
    %dma_wait3A_130 = tpu.memref_slice %arg2[%select_n3A, %dma_wait3A_129] : memref<16x2048xi32, #tpu.memory_space<hbm>> -> memref<1x1024xi32, #tpu.memory_space<hbm>>
    %dma_wait3A_131 = tpu.memref_squeeze %dma_wait3A_130 : memref<1x1024xi32, #tpu.memory_space<hbm>> -> memref<1024xi32, #tpu.memory_space<hbm>>
    tpu.wait_dma2 semaphore(%arg13 : memref<!tpu.dma_semaphore, #tpu.memory_space<semaphore_mem>>) src(%dma_wait3A_131 : memref<1024xi32, #tpu.memory_space<hbm>>) dst(%dma_wait3A_128 : memref<1024xi32, #tpu.memory_space<vmem>>)
    %broadcast_in_dim3A = arith.constant 0 : i32
    %broadcast_in_dim3A_132 = vector.broadcast %broadcast_in_dim3A : i32 to vector<16xi32>
    %scan3A = arith.constant 0 : i32
    %scan3A_133 = arith.constant 64 : i32
    %scan3A_134 = arith.addi %scan3A, %scan3A_133 : i32
    %scan3A_135 = arith.constant 1 : i32
    %scan3A_136 = scf.for %scan3A_508 = %scan3A to %scan3A_134 step %scan3A_135 iter_args(%scan3A_509 = %broadcast_in_dim3A_132) -> (vector<16xi32>)  : i32 {
      %mul3A_510 = arith.constant 16 : i32
      %mul3A_511 = arith.muli %scan3A_508, %mul3A_510 : i32
      %add3A_512 = arith.constant 1024 : i32
      %add3A_513 = arith.addi %add3A_512, %mul3A_511 : i32
      %get3A = arith.index_cast %add3A_513 : i32 to index
      %get3A_514 = tpu.vector_load %arg5[%get3A] {strides = array<i32>} : memref<2048xi32, #tpu.memory_space<vmem>>, vector<16xi32>,
      %add3A_515 = arith.addi %scan3A_509, %get3A_514 : vector<16xi32>
      scf.yield %add3A_515 : vector<16xi32>
    }
    %scan3A_137 = arith.constant 64 : i32
    %reduce_sum3A = arith.constant true
    %reduce_sum3A_138 = vector.broadcast %reduce_sum3A : i1 to vector<16xi1>
    %reduce_sum3A_139 = tpu.scan <sum>, %scan3A_136 masked %reduce_sum3A_138 : vector<16xi32>, vector<16xi1> -> vector<16xi32>
    %reduce_sum3A_140 = vector.extract %reduce_sum3A_139[15] : i32 from vector<16xi32>
    %mul3A_141 = arith.muli %select_n3A_30, %reduce_sum3A_140 : i32
    %mul3A_142 = arith.constant 2056 : i32
    %mul3A_143 = arith.muli %select_n3A, %mul3A_142 : i32
    %add3A_144 = arith.constant 2048 : i32
    %add3A_145 = arith.addi %mul3A_143, %add3A_144 : i32
    %scan3A_146 = arith.constant 0 : i32
    %scan3A_147 = arith.constant 16 : i32
    %scan3A_148 = arith.addi %scan3A_146, %scan3A_147 : i32
    %scan3A_149 = arith.constant 1 : i32
    %scan3A_150 = scf.for %scan3A_508 = %scan3A_146 to %scan3A_148 step %scan3A_149 iter_args(%scan3A_509 = %mul3A_141) -> (i32)  : i32 {
      %mul3A_510 = arith.constant 4 : i32
      %mul3A_511 = arith.muli %mul3A_510, %scan3A_508 : i32
      %add3A_512 = arith.constant 0 : i32
      %add3A_513 = arith.addi %mul3A_511, %add3A_512 : i32
      %mul3A_514 = arith.constant 16 : i32
      %mul3A_515 = arith.muli %add3A_513, %mul3A_514 : i32
      %get3A = arith.index_cast %mul3A_515 : i32 to index
      %get3A_516 = tpu.vector_load %arg5[%get3A] {strides = array<i32>} : memref<2048xi32, #tpu.memory_space<vmem>>, vector<16xi32>,
      %mul3A_517 = arith.constant 4 : i32
      %mul3A_518 = arith.muli %mul3A_517, %scan3A_508 : i32
      %add3A_519 = arith.constant 1 : i32
      %add3A_520 = arith.addi %mul3A_518, %add3A_519 : i32
      %mul3A_521 = arith.constant 16 : i32
      %mul3A_522 = arith.muli %add3A_520, %mul3A_521 : i32
      %get3A_523 = arith.index_cast %mul3A_522 : i32 to index
      %get3A_524 = tpu.vector_load %arg5[%get3A_523] {strides = array<i32>} : memref<2048xi32, #tpu.memory_space<vmem>>, vector<16xi32>,
      %mul3A_525 = arith.constant 4 : i32
      %mul3A_526 = arith.muli %mul3A_525, %scan3A_508 : i32
      %add3A_527 = arith.constant 2 : i32
      %add3A_528 = arith.addi %mul3A_526, %add3A_527 : i32
      %mul3A_529 = arith.constant 16 : i32
      %mul3A_530 = arith.muli %add3A_528, %mul3A_529 : i32
      %get3A_531 = arith.index_cast %mul3A_530 : i32 to index
      %get3A_532 = tpu.vector_load %arg5[%get3A_531] {strides = array<i32>} : memref<2048xi32, #tpu.memory_space<vmem>>, vector<16xi32>,
      %mul3A_533 = arith.constant 4 : i32
      %mul3A_534 = arith.muli %mul3A_533, %scan3A_508 : i32
      %add3A_535 = arith.constant 3 : i32
      %add3A_536 = arith.addi %mul3A_534, %add3A_535 : i32
      %mul3A_537 = arith.constant 16 : i32
      %mul3A_538 = arith.muli %add3A_536, %mul3A_537 : i32
      %get3A_539 = arith.index_cast %mul3A_538 : i32 to index
      %get3A_540 = tpu.vector_load %arg5[%get3A_539] {strides = array<i32>} : memref<2048xi32, #tpu.memory_space<vmem>>, vector<16xi32>,
      %broadcast_in_dim3A_541 = arith.constant true
      %broadcast_in_dim3A_542 = vector.broadcast %broadcast_in_dim3A_541 : i1 to vector<16xi1>
      %masked_cumsum3A = tpu.scan <sum>, %get3A_516 masked %broadcast_in_dim3A_542 : vector<16xi32>, vector<16xi1> -> vector<16xi32>
      %broadcast_in_dim3A_543 = arith.constant true
      %broadcast_in_dim3A_544 = vector.broadcast %broadcast_in_dim3A_543 : i1 to vector<16xi1>
      %masked_cumsum3A_545 = tpu.scan <sum>, %get3A_524 masked %broadcast_in_dim3A_544 : vector<16xi32>, vector<16xi1> -> vector<16xi32>
      %broadcast_in_dim3A_546 = arith.constant true
      %broadcast_in_dim3A_547 = vector.broadcast %broadcast_in_dim3A_546 : i1 to vector<16xi1>
      %masked_cumsum3A_548 = tpu.scan <sum>, %get3A_532 masked %broadcast_in_dim3A_547 : vector<16xi32>, vector<16xi1> -> vector<16xi32>
      %broadcast_in_dim3A_549 = arith.constant true
      %broadcast_in_dim3A_550 = vector.broadcast %broadcast_in_dim3A_549 : i1 to vector<16xi1>
      %masked_cumsum3A_551 = tpu.scan <sum>, %get3A_540 masked %broadcast_in_dim3A_550 : vector<16xi32>, vector<16xi1> -> vector<16xi32>
      %reduce_max3A = arith.constant true
      %reduce_max3A_552 = vector.broadcast %reduce_max3A : i1 to vector<16xi1>
      %reduce_max3A_553 = arith.constant -2147483648 : i32
      %reduce_max3A_554 = vector.broadcast %reduce_max3A_553 : i32 to vector<16xi32>
      %reduce_max3A_555 = arith.xori %masked_cumsum3A, %reduce_max3A_554 : vector<16xi32>
      %reduce_max3A_556 = tpu.scan <max>, %reduce_max3A_555 masked %reduce_max3A_552 : vector<16xi32>, vector<16xi1> -> vector<16xi32>
      %reduce_max3A_557 = arith.xori %reduce_max3A_556, %reduce_max3A_554 : vector<16xi32>
      %reduce_max3A_558 = vector.extract %reduce_max3A_557[15] : i32 from vector<16xi32>
      %reduce_max3A_559 = arith.constant true
      %reduce_max3A_560 = vector.broadcast %reduce_max3A_559 : i1 to vector<16xi1>
      %reduce_max3A_561 = arith.constant -2147483648 : i32
      %reduce_max3A_562 = vector.broadcast %reduce_max3A_561 : i32 to vector<16xi32>
      %reduce_max3A_563 = arith.xori %masked_cumsum3A_545, %reduce_max3A_562 : vector<16xi32>
      %reduce_max3A_564 = tpu.scan <max>, %reduce_max3A_563 masked %reduce_max3A_560 : vector<16xi32>, vector<16xi1> -> vector<16xi32>
      %reduce_max3A_565 = arith.xori %reduce_max3A_564, %reduce_max3A_562 : vector<16xi32>
      %reduce_max3A_566 = vector.extract %reduce_max3A_565[15] : i32 from vector<16xi32>
      %reduce_max3A_567 = arith.constant true
      %reduce_max3A_568 = vector.broadcast %reduce_max3A_567 : i1 to vector<16xi1>
      %reduce_max3A_569 = arith.constant -2147483648 : i32
      %reduce_max3A_570 = vector.broadcast %reduce_max3A_569 : i32 to vector<16xi32>
      %reduce_max3A_571 = arith.xori %masked_cumsum3A_548, %reduce_max3A_570 : vector<16xi32>
      %reduce_max3A_572 = tpu.scan <max>, %reduce_max3A_571 masked %reduce_max3A_568 : vector<16xi32>, vector<16xi1> -> vector<16xi32>
      %reduce_max3A_573 = arith.xori %reduce_max3A_572, %reduce_max3A_570 : vector<16xi32>
      %reduce_max3A_574 = vector.extract %reduce_max3A_573[15] : i32 from vector<16xi32>
      %reduce_max3A_575 = arith.constant true
      %reduce_max3A_576 = vector.broadcast %reduce_max3A_575 : i1 to vector<16xi1>
      %reduce_max3A_577 = arith.constant -2147483648 : i32
      %reduce_max3A_578 = vector.broadcast %reduce_max3A_577 : i32 to vector<16xi32>
      %reduce_max3A_579 = arith.xori %masked_cumsum3A_551, %reduce_max3A_578 : vector<16xi32>
      %reduce_max3A_580 = tpu.scan <max>, %reduce_max3A_579 masked %reduce_max3A_576 : vector<16xi32>, vector<16xi1> -> vector<16xi32>
      %reduce_max3A_581 = arith.xori %reduce_max3A_580, %reduce_max3A_578 : vector<16xi32>
      %reduce_max3A_582 = vector.extract %reduce_max3A_581[15] : i32 from vector<16xi32>
      %ne3A_583 = arith.constant 0 : i32
      %ne3A_584 = vector.broadcast %ne3A_583 : i32 to vector<16xi32>
      %ne3A_585 = arith.cmpi ne, %get3A_516, %ne3A_584 : vector<16xi32>
      %mul3A_586 = arith.constant 2056 : i32
      %mul3A_587 = arith.muli %select_n3A, %mul3A_586 : i32
      %add3A_588 = arith.addi %mul3A_587, %scan3A_509 : i32
      %add3A_589 = vector.broadcast %add3A_588 : i32 to vector<16xi32>
      %add3A_590 = arith.addi %add3A_589, %masked_cumsum3A : vector<16xi32>
      %sub3A_591 = arith.constant 1 : i32
      %sub3A_592 = vector.broadcast %sub3A_591 : i32 to vector<16xi32>
      %sub3A_593 = arith.subi %add3A_590, %sub3A_592 : vector<16xi32>
      %broadcast_in_dim3A_594 = vector.broadcast %add3A_145 : i32 to vector<16xi32>
      %select_n3A_595 = arith.select %ne3A_585, %sub3A_593, %broadcast_in_dim3A_594 : vector<16xi1>, vector<16xi32>
      %mul3A_596 = arith.constant 4 : i32
      %mul3A_597 = arith.muli %mul3A_596, %scan3A_508 : i32
      %add3A_598 = arith.constant 0 : i32
      %add3A_599 = arith.addi %mul3A_597, %add3A_598 : i32
      %jit3A_600 = arith.constant 8 : i32
      %div3A_601 = arith.divsi %add3A_599, %jit3A_600 : i32
      %sign3A_602 = arith.constant 0 : i32
      %sign3A_603 = arith.cmpi sgt, %add3A_599, %sign3A_602 : i32
      %sign3A_604 = arith.extui %sign3A_603 : i1 to i32
      %sign3A_605 = arith.constant 0 : i32
      %sign3A_606 = arith.cmpi slt, %add3A_599, %sign3A_605 : i32
      %sign3A_607 = arith.extui %sign3A_606 : i1 to i32
      %sign3A_608 = arith.subi %sign3A_604, %sign3A_607 : i32
      %sign3A_609 = arith.constant 0 : i32
      %sign3A_610 = arith.cmpi sgt, %jit3A_600, %sign3A_609 : i32
      %sign3A_611 = arith.extui %sign3A_610 : i1 to i32
      %sign3A_612 = arith.constant 0 : i32
      %sign3A_613 = arith.cmpi slt, %jit3A_600, %sign3A_612 : i32
      %sign3A_614 = arith.extui %sign3A_613 : i1 to i32
      %sign3A_615 = arith.subi %sign3A_611, %sign3A_614 : i32
      %ne3A_616 = arith.cmpi ne, %sign3A_608, %sign3A_615 : i32
      %rem3A_617 = arith.remsi %add3A_599, %jit3A_600 : i32
      %ne3A_618 = arith.constant 0 : i32
      %ne3A_619 = arith.cmpi ne, %rem3A_617, %ne3A_618 : i32
      %and3A_620 = arith.andi %ne3A_616, %ne3A_619 : i1
      %sub3A_621 = arith.constant 1 : i32
      %sub3A_622 = arith.subi %div3A_601, %sub3A_621 : i32
      %select_n3A_623 = arith.select %and3A_620, %sub3A_622, %div3A_601 : i32
      %mul3A_624 = arith.constant 4 : i32
      %mul3A_625 = arith.muli %mul3A_624, %scan3A_508 : i32
      %add3A_626 = arith.constant 0 : i32
      %add3A_627 = arith.addi %mul3A_625, %add3A_626 : i32
      %jit3A_628 = arith.constant 8 : i32
      %eq3A_629 = arith.constant 0 : i32
      %eq3A_630 = arith.cmpi eq, %jit3A_628, %eq3A_629 : i32
      %jit3A_631 = arith.constant 1 : i32
      %select_n3A_632 = arith.select %eq3A_630, %jit3A_631, %jit3A_628 : i32
      %rem3A_633 = arith.remsi %add3A_627, %select_n3A_632 : i32
      %ne3A_634 = arith.constant 0 : i32
      %ne3A_635 = arith.cmpi ne, %rem3A_633, %ne3A_634 : i32
      %lt3A_636 = arith.constant 0 : i32
      %lt3A_637 = arith.cmpi slt, %rem3A_633, %lt3A_636 : i32
      %lt3A_638 = arith.constant 0 : i32
      %lt3A_639 = arith.cmpi slt, %select_n3A_632, %lt3A_638 : i32
      %ne3A_640 = arith.xori %lt3A_637, %lt3A_639 : i1
      %and3A_641 = arith.andi %ne3A_640, %ne3A_635 : i1
      %add3A_642 = arith.addi %rem3A_633, %select_n3A_632 : i32
      %select_n3A_643 = arith.select %and3A_641, %add3A_642, %rem3A_633 : i32
      %mul3A_644 = arith.constant 16 : i32
      %mul3A_645 = arith.muli %select_n3A_643, %mul3A_644 : i32
      %swap3A = arith.index_cast %select_n3A_623 : i32 to index
      %swap3A_646 = arith.index_cast %mul3A_645 : i32 to index
      %swap3A_647 = tpu.vector_load %arg6[%swap3A, %swap3A_646] {strides = array<i32>} : memref<8x128xi32, #tpu.memory_space<vmem>>, vector<16xi32>,
      tpu.vector_store %arg6[%swap3A, %swap3A_646], %select_n3A_595 {strides = array<i32>} : memref<8x128xi32, #tpu.memory_space<vmem>>, vector<16xi32>,
      %add3A_648 = arith.addi %scan3A_509, %reduce_max3A_558 : i32
      %ne3A_649 = arith.constant 0 : i32
      %ne3A_650 = vector.broadcast %ne3A_649 : i32 to vector<16xi32>
      %ne3A_651 = arith.cmpi ne, %get3A_524, %ne3A_650 : vector<16xi32>
      %mul3A_652 = arith.constant 2056 : i32
      %mul3A_653 = arith.muli %select_n3A, %mul3A_652 : i32
      %add3A_654 = arith.addi %mul3A_653, %add3A_648 : i32
      %add3A_655 = vector.broadcast %add3A_654 : i32 to vector<16xi32>
      %add3A_656 = arith.addi %add3A_655, %masked_cumsum3A_545 : vector<16xi32>
      %sub3A_657 = arith.constant 1 : i32
      %sub3A_658 = vector.broadcast %sub3A_657 : i32 to vector<16xi32>
      %sub3A_659 = arith.subi %add3A_656, %sub3A_658 : vector<16xi32>
      %broadcast_in_dim3A_660 = vector.broadcast %add3A_145 : i32 to vector<16xi32>
      %select_n3A_661 = arith.select %ne3A_651, %sub3A_659, %broadcast_in_dim3A_660 : vector<16xi1>, vector<16xi32>
      %mul3A_662 = arith.constant 4 : i32
      %mul3A_663 = arith.muli %mul3A_662, %scan3A_508 : i32
      %add3A_664 = arith.constant 1 : i32
      %add3A_665 = arith.addi %mul3A_663, %add3A_664 : i32
      %jit3A_666 = arith.constant 8 : i32
      %div3A_667 = arith.divsi %add3A_665, %jit3A_666 : i32
      %sign3A_668 = arith.constant 0 : i32
      %sign3A_669 = arith.cmpi sgt, %add3A_665, %sign3A_668 : i32
      %sign3A_670 = arith.extui %sign3A_669 : i1 to i32
      %sign3A_671 = arith.constant 0 : i32
      %sign3A_672 = arith.cmpi slt, %add3A_665, %sign3A_671 : i32
      %sign3A_673 = arith.extui %sign3A_672 : i1 to i32
      %sign3A_674 = arith.subi %sign3A_670, %sign3A_673 : i32
      %sign3A_675 = arith.constant 0 : i32
      %sign3A_676 = arith.cmpi sgt, %jit3A_666, %sign3A_675 : i32
      %sign3A_677 = arith.extui %sign3A_676 : i1 to i32
      %sign3A_678 = arith.constant 0 : i32
      %sign3A_679 = arith.cmpi slt, %jit3A_666, %sign3A_678 : i32
      %sign3A_680 = arith.extui %sign3A_679 : i1 to i32
      %sign3A_681 = arith.subi %sign3A_677, %sign3A_680 : i32
      %ne3A_682 = arith.cmpi ne, %sign3A_674, %sign3A_681 : i32
      %rem3A_683 = arith.remsi %add3A_665, %jit3A_666 : i32
      %ne3A_684 = arith.constant 0 : i32
      %ne3A_685 = arith.cmpi ne, %rem3A_683, %ne3A_684 : i32
      %and3A_686 = arith.andi %ne3A_682, %ne3A_685 : i1
      %sub3A_687 = arith.constant 1 : i32
      %sub3A_688 = arith.subi %div3A_667, %sub3A_687 : i32
      %select_n3A_689 = arith.select %and3A_686, %sub3A_688, %div3A_667 : i32
      %mul3A_690 = arith.constant 4 : i32
      %mul3A_691 = arith.muli %mul3A_690, %scan3A_508 : i32
      %add3A_692 = arith.constant 1 : i32
      %add3A_693 = arith.addi %mul3A_691, %add3A_692 : i32
      %jit3A_694 = arith.constant 8 : i32
      %eq3A_695 = arith.constant 0 : i32
      %eq3A_696 = arith.cmpi eq, %jit3A_694, %eq3A_695 : i32
      %jit3A_697 = arith.constant 1 : i32
      %select_n3A_698 = arith.select %eq3A_696, %jit3A_697, %jit3A_694 : i32
      %rem3A_699 = arith.remsi %add3A_693, %select_n3A_698 : i32
      %ne3A_700 = arith.constant 0 : i32
      %ne3A_701 = arith.cmpi ne, %rem3A_699, %ne3A_700 : i32
      %lt3A_702 = arith.constant 0 : i32
      %lt3A_703 = arith.cmpi slt, %rem3A_699, %lt3A_702 : i32
      %lt3A_704 = arith.constant 0 : i32
      %lt3A_705 = arith.cmpi slt, %select_n3A_698, %lt3A_704 : i32
      %ne3A_706 = arith.xori %lt3A_703, %lt3A_705 : i1
      %and3A_707 = arith.andi %ne3A_706, %ne3A_701 : i1
      %add3A_708 = arith.addi %rem3A_699, %select_n3A_698 : i32
      %select_n3A_709 = arith.select %and3A_707, %add3A_708, %rem3A_699 : i32
      %mul3A_710 = arith.constant 16 : i32
      %mul3A_711 = arith.muli %select_n3A_709, %mul3A_710 : i32
      %swap3A_712 = arith.index_cast %select_n3A_689 : i32 to index
      %swap3A_713 = arith.index_cast %mul3A_711 : i32 to index
      %swap3A_714 = tpu.vector_load %arg6[%swap3A_712, %swap3A_713] {strides = array<i32>} : memref<8x128xi32, #tpu.memory_space<vmem>>, vector<16xi32>,
      tpu.vector_store %arg6[%swap3A_712, %swap3A_713], %select_n3A_661 {strides = array<i32>} : memref<8x128xi32, #tpu.memory_space<vmem>>, vector<16xi32>,
      %add3A_715 = arith.addi %add3A_648, %reduce_max3A_566 : i32
      %ne3A_716 = arith.constant 0 : i32
      %ne3A_717 = vector.broadcast %ne3A_716 : i32 to vector<16xi32>
      %ne3A_718 = arith.cmpi ne, %get3A_532, %ne3A_717 : vector<16xi32>
      %mul3A_719 = arith.constant 2056 : i32
      %mul3A_720 = arith.muli %select_n3A, %mul3A_719 : i32
      %add3A_721 = arith.addi %mul3A_720, %add3A_715 : i32
      %add3A_722 = vector.broadcast %add3A_721 : i32 to vector<16xi32>
      %add3A_723 = arith.addi %add3A_722, %masked_cumsum3A_548 : vector<16xi32>
      %sub3A_724 = arith.constant 1 : i32
      %sub3A_725 = vector.broadcast %sub3A_724 : i32 to vector<16xi32>
      %sub3A_726 = arith.subi %add3A_723, %sub3A_725 : vector<16xi32>
      %broadcast_in_dim3A_727 = vector.broadcast %add3A_145 : i32 to vector<16xi32>
      %select_n3A_728 = arith.select %ne3A_718, %sub3A_726, %broadcast_in_dim3A_727 : vector<16xi1>, vector<16xi32>
      %mul3A_729 = arith.constant 4 : i32
      %mul3A_730 = arith.muli %mul3A_729, %scan3A_508 : i32
      %add3A_731 = arith.constant 2 : i32
      %add3A_732 = arith.addi %mul3A_730, %add3A_731 : i32
      %jit3A_733 = arith.constant 8 : i32
      %div3A_734 = arith.divsi %add3A_732, %jit3A_733 : i32
      %sign3A_735 = arith.constant 0 : i32
      %sign3A_736 = arith.cmpi sgt, %add3A_732, %sign3A_735 : i32
      %sign3A_737 = arith.extui %sign3A_736 : i1 to i32
      %sign3A_738 = arith.constant 0 : i32
      %sign3A_739 = arith.cmpi slt, %add3A_732, %sign3A_738 : i32
      %sign3A_740 = arith.extui %sign3A_739 : i1 to i32
      %sign3A_741 = arith.subi %sign3A_737, %sign3A_740 : i32
      %sign3A_742 = arith.constant 0 : i32
      %sign3A_743 = arith.cmpi sgt, %jit3A_733, %sign3A_742 : i32
      %sign3A_744 = arith.extui %sign3A_743 : i1 to i32
      %sign3A_745 = arith.constant 0 : i32
      %sign3A_746 = arith.cmpi slt, %jit3A_733, %sign3A_745 : i32
      %sign3A_747 = arith.extui %sign3A_746 : i1 to i32
      %sign3A_748 = arith.subi %sign3A_744, %sign3A_747 : i32
      %ne3A_749 = arith.cmpi ne, %sign3A_741, %sign3A_748 : i32
      %rem3A_750 = arith.remsi %add3A_732, %jit3A_733 : i32
      %ne3A_751 = arith.constant 0 : i32
      %ne3A_752 = arith.cmpi ne, %rem3A_750, %ne3A_751 : i32
      %and3A_753 = arith.andi %ne3A_749, %ne3A_752 : i1
      %sub3A_754 = arith.constant 1 : i32
      %sub3A_755 = arith.subi %div3A_734, %sub3A_754 : i32
      %select_n3A_756 = arith.select %and3A_753, %sub3A_755, %div3A_734 : i32
      %mul3A_757 = arith.constant 4 : i32
      %mul3A_758 = arith.muli %mul3A_757, %scan3A_508 : i32
      %add3A_759 = arith.constant 2 : i32
      %add3A_760 = arith.addi %mul3A_758, %add3A_759 : i32
      %jit3A_761 = arith.constant 8 : i32
      %eq3A_762 = arith.constant 0 : i32
      %eq3A_763 = arith.cmpi eq, %jit3A_761, %eq3A_762 : i32
      %jit3A_764 = arith.constant 1 : i32
      %select_n3A_765 = arith.select %eq3A_763, %jit3A_764, %jit3A_761 : i32
      %rem3A_766 = arith.remsi %add3A_760, %select_n3A_765 : i32
      %ne3A_767 = arith.constant 0 : i32
      %ne3A_768 = arith.cmpi ne, %rem3A_766, %ne3A_767 : i32
      %lt3A_769 = arith.constant 0 : i32
      %lt3A_770 = arith.cmpi slt, %rem3A_766, %lt3A_769 : i32
      %lt3A_771 = arith.constant 0 : i32
      %lt3A_772 = arith.cmpi slt, %select_n3A_765, %lt3A_771 : i32
      %ne3A_773 = arith.xori %lt3A_770, %lt3A_772 : i1
      %and3A_774 = arith.andi %ne3A_773, %ne3A_768 : i1
      %add3A_775 = arith.addi %rem3A_766, %select_n3A_765 : i32
      %select_n3A_776 = arith.select %and3A_774, %add3A_775, %rem3A_766 : i32
      %mul3A_777 = arith.constant 16 : i32
      %mul3A_778 = arith.muli %select_n3A_776, %mul3A_777 : i32
      %swap3A_779 = arith.index_cast %select_n3A_756 : i32 to index
      %swap3A_780 = arith.index_cast %mul3A_778 : i32 to index
      %swap3A_781 = tpu.vector_load %arg6[%swap3A_779, %swap3A_780] {strides = array<i32>} : memref<8x128xi32, #tpu.memory_space<vmem>>, vector<16xi32>,
      tpu.vector_store %arg6[%swap3A_779, %swap3A_780], %select_n3A_728 {strides = array<i32>} : memref<8x128xi32, #tpu.memory_space<vmem>>, vector<16xi32>,
      %add3A_782 = arith.addi %add3A_715, %reduce_max3A_574 : i32
      %ne3A_783 = arith.constant 0 : i32
      %ne3A_784 = vector.broadcast %ne3A_783 : i32 to vector<16xi32>
      %ne3A_785 = arith.cmpi ne, %get3A_540, %ne3A_784 : vector<16xi32>
      %mul3A_786 = arith.constant 2056 : i32
      %mul3A_787 = arith.muli %select_n3A, %mul3A_786 : i32
      %add3A_788 = arith.addi %mul3A_787, %add3A_782 : i32
      %add3A_789 = vector.broadcast %add3A_788 : i32 to vector<16xi32>
      %add3A_790 = arith.addi %add3A_789, %masked_cumsum3A_551 : vector<16xi32>
      %sub3A_791 = arith.constant 1 : i32
      %sub3A_792 = vector.broadcast %sub3A_791 : i32 to vector<16xi32>
      %sub3A_793 = arith.subi %add3A_790, %sub3A_792 : vector<16xi32>
      %broadcast_in_dim3A_794 = vector.broadcast %add3A_145 : i32 to vector<16xi32>
      %select_n3A_795 = arith.select %ne3A_785, %sub3A_793, %broadcast_in_dim3A_794 : vector<16xi1>, vector<16xi32>
      %mul3A_796 = arith.constant 4 : i32
      %mul3A_797 = arith.muli %mul3A_796, %scan3A_508 : i32
      %add3A_798 = arith.constant 3 : i32
      %add3A_799 = arith.addi %mul3A_797, %add3A_798 : i32
      %jit3A_800 = arith.constant 8 : i32
      %div3A_801 = arith.divsi %add3A_799, %jit3A_800 : i32
      %sign3A_802 = arith.constant 0 : i32
      %sign3A_803 = arith.cmpi sgt, %add3A_799, %sign3A_802 : i32
      %sign3A_804 = arith.extui %sign3A_803 : i1 to i32
      %sign3A_805 = arith.constant 0 : i32
      %sign3A_806 = arith.cmpi slt, %add3A_799, %sign3A_805 : i32
      %sign3A_807 = arith.extui %sign3A_806 : i1 to i32
      %sign3A_808 = arith.subi %sign3A_804, %sign3A_807 : i32
      %sign3A_809 = arith.constant 0 : i32
      %sign3A_810 = arith.cmpi sgt, %jit3A_800, %sign3A_809 : i32
      %sign3A_811 = arith.extui %sign3A_810 : i1 to i32
      %sign3A_812 = arith.constant 0 : i32
      %sign3A_813 = arith.cmpi slt, %jit3A_800, %sign3A_812 : i32
      %sign3A_814 = arith.extui %sign3A_813 : i1 to i32
      %sign3A_815 = arith.subi %sign3A_811, %sign3A_814 : i32
      %ne3A_816 = arith.cmpi ne, %sign3A_808, %sign3A_815 : i32
      %rem3A_817 = arith.remsi %add3A_799, %jit3A_800 : i32
      %ne3A_818 = arith.constant 0 : i32
      %ne3A_819 = arith.cmpi ne, %rem3A_817, %ne3A_818 : i32
      %and3A_820 = arith.andi %ne3A_816, %ne3A_819 : i1
      %sub3A_821 = arith.constant 1 : i32
      %sub3A_822 = arith.subi %div3A_801, %sub3A_821 : i32
      %select_n3A_823 = arith.select %and3A_820, %sub3A_822, %div3A_801 : i32
      %mul3A_824 = arith.constant 4 : i32
      %mul3A_825 = arith.muli %mul3A_824, %scan3A_508 : i32
      %add3A_826 = arith.constant 3 : i32
      %add3A_827 = arith.addi %mul3A_825, %add3A_826 : i32
      %jit3A_828 = arith.constant 8 : i32
      %eq3A_829 = arith.constant 0 : i32
      %eq3A_830 = arith.cmpi eq, %jit3A_828, %eq3A_829 : i32
      %jit3A_831 = arith.constant 1 : i32
      %select_n3A_832 = arith.select %eq3A_830, %jit3A_831, %jit3A_828 : i32
      %rem3A_833 = arith.remsi %add3A_827, %select_n3A_832 : i32
      %ne3A_834 = arith.constant 0 : i32
      %ne3A_835 = arith.cmpi ne, %rem3A_833, %ne3A_834 : i32
      %lt3A_836 = arith.constant 0 : i32
      %lt3A_837 = arith.cmpi slt, %rem3A_833, %lt3A_836 : i32
      %lt3A_838 = arith.constant 0 : i32
      %lt3A_839 = arith.cmpi slt, %select_n3A_832, %lt3A_838 : i32
      %ne3A_840 = arith.xori %lt3A_837, %lt3A_839 : i1
      %and3A_841 = arith.andi %ne3A_840, %ne3A_835 : i1
      %add3A_842 = arith.addi %rem3A_833, %select_n3A_832 : i32
      %select_n3A_843 = arith.select %and3A_841, %add3A_842, %rem3A_833 : i32
      %mul3A_844 = arith.constant 16 : i32
      %mul3A_845 = arith.muli %select_n3A_843, %mul3A_844 : i32
      %swap3A_846 = arith.index_cast %select_n3A_823 : i32 to index
      %swap3A_847 = arith.index_cast %mul3A_845 : i32 to index
      %swap3A_848 = tpu.vector_load %arg6[%swap3A_846, %swap3A_847] {strides = array<i32>} : memref<8x128xi32, #tpu.memory_space<vmem>>, vector<16xi32>,
      tpu.vector_store %arg6[%swap3A_846, %swap3A_847], %select_n3A_795 {strides = array<i32>} : memref<8x128xi32, #tpu.memory_space<vmem>>, vector<16xi32>,
      %add3A_849 = arith.addi %add3A_782, %reduce_max3A_582 : i32
      scf.yield %add3A_849 : i32
    }
    %scan3A_151 = arith.constant 16 : i32
    %dma_wait3A_152 = arith.constant 0 : i32
    %dma_wait3A_153 = arith.constant 0 : i32
    %dma_wait3A_154 = arith.constant 0 : i32
    %dma_wait3A_155 = tpu.memref_slice %arg7[%dma_wait3A_152, %dma_wait3A_153, %dma_wait3A_154] : memref<4x128x128xf32, #tpu.memory_space<vmem>> -> memref<1x128x128xf32, #tpu.memory_space<vmem>>
    %dma_wait3A_156 = tpu.memref_squeeze %dma_wait3A_155 : memref<1x128x128xf32, #tpu.memory_space<vmem>> -> memref<128x128xf32, #tpu.memory_space<vmem>>
    %dma_wait3A_157 = arith.constant 0 : i32
    %dma_wait3A_158 = tpu.memref_slice %arg3[%add3A_37, %dma_wait3A_157] : memref<32768x128xf32, #tpu.memory_space<hbm>> -> memref<128x128xf32, #tpu.memory_space<hbm>>
    %dma_wait3A_159 = arith.constant 0 : i32
    %dma_wait3A_160 = arith.constant 0 : i32
    %dma_wait3A_161 = tpu.memref_slice %arg7[%dma_wait3A_152, %dma_wait3A_159, %dma_wait3A_160] : memref<4x128x128xf32, #tpu.memory_space<vmem>> -> memref<1x128x128xf32, #tpu.memory_space<vmem>>
    %dma_wait3A_162 = tpu.memref_squeeze %dma_wait3A_161 : memref<1x128x128xf32, #tpu.memory_space<vmem>> -> memref<128x128xf32, #tpu.memory_space<vmem>>
    %dma_wait3A_163 = arith.constant 0 : i32
    %dma_wait3A_164 = tpu.memref_slice %arg3[%add3A_37, %dma_wait3A_163] : memref<32768x128xf32, #tpu.memory_space<hbm>> -> memref<128x128xf32, #tpu.memory_space<hbm>>
    tpu.wait_dma2 semaphore(%arg8 : memref<!tpu.dma_semaphore, #tpu.memory_space<semaphore_mem>>) src(%dma_wait3A_164 : memref<128x128xf32, #tpu.memory_space<hbm>>) dst(%dma_wait3A_162 : memref<128x128xf32, #tpu.memory_space<vmem>>)
    %dma_start3A_165 = arith.constant 0 : i32
    %dma_start3A_166 = arith.constant 0 : i32
    %dma_start3A_167 = arith.constant 0 : i32
    %dma_start3A_168 = arith.constant 0 : i32
    %dma_start3A_169 = tpu.memref_slice %arg7[%dma_start3A_165, %dma_start3A_167, %dma_start3A_168] : memref<4x128x128xf32, #tpu.memory_space<vmem>> -> memref<1x128x128xf32, #tpu.memory_space<vmem>>
    %dma_start3A_170 = tpu.memref_squeeze %dma_start3A_169 : memref<1x128x128xf32, #tpu.memory_space<vmem>> -> memref<128x128xf32, #tpu.memory_space<vmem>>
    %dma_start3A_171 = arith.constant 0 : i32
    %dma_start3A_172 = tpu.memref_slice %arg6[%dma_start3A_166, %dma_start3A_171] : memref<8x128xi32, #tpu.memory_space<vmem>> -> memref<1x128xi32, #tpu.memory_space<vmem>>
    %dma_start3A_173 = tpu.memref_squeeze %dma_start3A_172 : memref<1x128xi32, #tpu.memory_space<vmem>> -> memref<128xi32, #tpu.memory_space<vmem>>
    %dma_start3A_174 = arith.constant 0 : i32
    %dma_start3A_175 = arith.constant 0 : i32
    %dma_start3A_176 = tpu.memref_slice %arg4[%dma_start3A_174, %dma_start3A_175] : memref<32896x128xf32, #tpu.memory_space<hbm>> -> memref<32896x128xf32, #tpu.memory_space<hbm>>
    tpu.enqueue_indirect_dma source(%dma_start3A_170 : memref<128x128xf32, #tpu.memory_space<vmem>>) target(%dma_start3A_176 : memref<32896x128xf32, #tpu.memory_space<hbm>>) offsets(%dma_start3A_173 : memref<128xi32, #tpu.memory_space<vmem>>) semaphore(%arg12 : memref<!tpu.dma_semaphore, #tpu.memory_space<semaphore_mem>>)
    %dma_wait3A_177 = arith.constant 1 : i32
    %dma_wait3A_178 = arith.constant 0 : i32
    %dma_wait3A_179 = arith.constant 0 : i32
    %dma_wait3A_180 = tpu.memref_slice %arg7[%dma_wait3A_177, %dma_wait3A_178, %dma_wait3A_179] : memref<4x128x128xf32, #tpu.memory_space<vmem>> -> memref<1x128x128xf32, #tpu.memory_space<vmem>>
    %dma_wait3A_181 = tpu.memref_squeeze %dma_wait3A_180 : memref<1x128x128xf32, #tpu.memory_space<vmem>> -> memref<128x128xf32, #tpu.memory_space<vmem>>
    %dma_wait3A_182 = arith.constant 0 : i32
    %dma_wait3A_183 = tpu.memref_slice %arg3[%add3A_51, %dma_wait3A_182] : memref<32768x128xf32, #tpu.memory_space<hbm>> -> memref<128x128xf32, #tpu.memory_space<hbm>>
    %dma_wait3A_184 = arith.constant 0 : i32
    %dma_wait3A_185 = arith.constant 0 : i32
    %dma_wait3A_186 = tpu.memref_slice %arg7[%dma_wait3A_177, %dma_wait3A_184, %dma_wait3A_185] : memref<4x128x128xf32, #tpu.memory_space<vmem>> -> memref<1x128x128xf32, #tpu.memory_space<vmem>>
    %dma_wait3A_187 = tpu.memref_squeeze %dma_wait3A_186 : memref<1x128x128xf32, #tpu.memory_space<vmem>> -> memref<128x128xf32, #tpu.memory_space<vmem>>
    %dma_wait3A_188 = arith.constant 0 : i32
    %dma_wait3A_189 = tpu.memref_slice %arg3[%add3A_51, %dma_wait3A_188] : memref<32768x128xf32, #tpu.memory_space<hbm>> -> memref<128x128xf32, #tpu.memory_space<hbm>>
    tpu.wait_dma2 semaphore(%arg9 : memref<!tpu.dma_semaphore, #tpu.memory_space<semaphore_mem>>) src(%dma_wait3A_189 : memref<128x128xf32, #tpu.memory_space<hbm>>) dst(%dma_wait3A_187 : memref<128x128xf32, #tpu.memory_space<vmem>>)
    %dma_start3A_190 = arith.constant 1 : i32
    %dma_start3A_191 = arith.constant 1 : i32
    %dma_start3A_192 = arith.constant 0 : i32
    %dma_start3A_193 = arith.constant 0 : i32
    %dma_start3A_194 = tpu.memref_slice %arg7[%dma_start3A_190, %dma_start3A_192, %dma_start3A_193] : memref<4x128x128xf32, #tpu.memory_space<vmem>> -> memref<1x128x128xf32, #tpu.memory_space<vmem>>
    %dma_start3A_195 = tpu.memref_squeeze %dma_start3A_194 : memref<1x128x128xf32, #tpu.memory_space<vmem>> -> memref<128x128xf32, #tpu.memory_space<vmem>>
    %dma_start3A_196 = arith.constant 0 : i32
    %dma_start3A_197 = tpu.memref_slice %arg6[%dma_start3A_191, %dma_start3A_196] : memref<8x128xi32, #tpu.memory_space<vmem>> -> memref<1x128xi32, #tpu.memory_space<vmem>>
    %dma_start3A_198 = tpu.memref_squeeze %dma_start3A_197 : memref<1x128xi32, #tpu.memory_space<vmem>> -> memref<128xi32, #tpu.memory_space<vmem>>
    %dma_start3A_199 = arith.constant 0 : i32
    %dma_start3A_200 = arith.constant 0 : i32
    %dma_start3A_201 = tpu.memref_slice %arg4[%dma_start3A_199, %dma_start3A_200] : memref<32896x128xf32, #tpu.memory_space<hbm>> -> memref<32896x128xf32, #tpu.memory_space<hbm>>
    tpu.enqueue_indirect_dma source(%dma_start3A_195 : memref<128x128xf32, #tpu.memory_space<vmem>>) target(%dma_start3A_201 : memref<32896x128xf32, #tpu.memory_space<hbm>>) offsets(%dma_start3A_198 : memref<128xi32, #tpu.memory_space<vmem>>) semaphore(%arg13 : memref<!tpu.dma_semaphore, #tpu.memory_space<semaphore_mem>>)
    %dma_wait3A_202 = arith.constant 2 : i32
    %dma_wait3A_203 = arith.constant 0 : i32
    %dma_wait3A_204 = arith.constant 0 : i32
    %dma_wait3A_205 = tpu.memref_slice %arg7[%dma_wait3A_202, %dma_wait3A_203, %dma_wait3A_204] : memref<4x128x128xf32, #tpu.memory_space<vmem>> -> memref<1x128x128xf32, #tpu.memory_space<vmem>>
    %dma_wait3A_206 = tpu.memref_squeeze %dma_wait3A_205 : memref<1x128x128xf32, #tpu.memory_space<vmem>> -> memref<128x128xf32, #tpu.memory_space<vmem>>
    %dma_wait3A_207 = arith.constant 0 : i32
    %dma_wait3A_208 = tpu.memref_slice %arg3[%add3A_66, %dma_wait3A_207] : memref<32768x128xf32, #tpu.memory_space<hbm>> -> memref<128x128xf32, #tpu.memory_space<hbm>>
    %dma_wait3A_209 = arith.constant 0 : i32
    %dma_wait3A_210 = arith.constant 0 : i32
    %dma_wait3A_211 = tpu.memref_slice %arg7[%dma_wait3A_202, %dma_wait3A_209, %dma_wait3A_210] : memref<4x128x128xf32, #tpu.memory_space<vmem>> -> memref<1x128x128xf32, #tpu.memory_space<vmem>>
    %dma_wait3A_212 = tpu.memref_squeeze %dma_wait3A_211 : memref<1x128x128xf32, #tpu.memory_space<vmem>> -> memref<128x128xf32, #tpu.memory_space<vmem>>
    %dma_wait3A_213 = arith.constant 0 : i32
    %dma_wait3A_214 = tpu.memref_slice %arg3[%add3A_66, %dma_wait3A_213] : memref<32768x128xf32, #tpu.memory_space<hbm>> -> memref<128x128xf32, #tpu.memory_space<hbm>>
    tpu.wait_dma2 semaphore(%arg10 : memref<!tpu.dma_semaphore, #tpu.memory_space<semaphore_mem>>) src(%dma_wait3A_214 : memref<128x128xf32, #tpu.memory_space<hbm>>) dst(%dma_wait3A_212 : memref<128x128xf32, #tpu.memory_space<vmem>>)
    %dma_start3A_215 = arith.constant 2 : i32
    %dma_start3A_216 = arith.constant 2 : i32
    %dma_start3A_217 = arith.constant 0 : i32
    %dma_start3A_218 = arith.constant 0 : i32
    %dma_start3A_219 = tpu.memref_slice %arg7[%dma_start3A_215, %dma_start3A_217, %dma_start3A_218] : memref<4x128x128xf32, #tpu.memory_space<vmem>> -> memref<1x128x128xf32, #tpu.memory_space<vmem>>
    %dma_start3A_220 = tpu.memref_squeeze %dma_start3A_219 : memref<1x128x128xf32, #tpu.memory_space<vmem>> -> memref<128x128xf32, #tpu.memory_space<vmem>>
    %dma_start3A_221 = arith.constant 0 : i32
    %dma_start3A_222 = tpu.memref_slice %arg6[%dma_start3A_216, %dma_start3A_221] : memref<8x128xi32, #tpu.memory_space<vmem>> -> memref<1x128xi32, #tpu.memory_space<vmem>>
    %dma_start3A_223 = tpu.memref_squeeze %dma_start3A_222 : memref<1x128xi32, #tpu.memory_space<vmem>> -> memref<128xi32, #tpu.memory_space<vmem>>
    %dma_start3A_224 = arith.constant 0 : i32
    %dma_start3A_225 = arith.constant 0 : i32
    %dma_start3A_226 = tpu.memref_slice %arg4[%dma_start3A_224, %dma_start3A_225] : memref<32896x128xf32, #tpu.memory_space<hbm>> -> memref<32896x128xf32, #tpu.memory_space<hbm>>
    tpu.enqueue_indirect_dma source(%dma_start3A_220 : memref<128x128xf32, #tpu.memory_space<vmem>>) target(%dma_start3A_226 : memref<32896x128xf32, #tpu.memory_space<hbm>>) offsets(%dma_start3A_223 : memref<128xi32, #tpu.memory_space<vmem>>) semaphore(%arg14 : memref<!tpu.dma_semaphore, #tpu.memory_space<semaphore_mem>>)
    %dma_wait3A_227 = arith.constant 3 : i32
    %dma_wait3A_228 = arith.constant 0 : i32
    %dma_wait3A_229 = arith.constant 0 : i32
    %dma_wait3A_230 = tpu.memref_slice %arg7[%dma_wait3A_227, %dma_wait3A_228, %dma_wait3A_229] : memref<4x128x128xf32, #tpu.memory_space<vmem>> -> memref<1x128x128xf32, #tpu.memory_space<vmem>>
    %dma_wait3A_231 = tpu.memref_squeeze %dma_wait3A_230 : memref<1x128x128xf32, #tpu.memory_space<vmem>> -> memref<128x128xf32, #tpu.memory_space<vmem>>
    %dma_wait3A_232 = arith.constant 0 : i32
    %dma_wait3A_233 = tpu.memref_slice %arg3[%add3A_81, %dma_wait3A_232] : memref<32768x128xf32, #tpu.memory_space<hbm>> -> memref<128x128xf32, #tpu.memory_space<hbm>>
    %dma_wait3A_234 = arith.constant 0 : i32
    %dma_wait3A_235 = arith.constant 0 : i32
    %dma_wait3A_236 = tpu.memref_slice %arg7[%dma_wait3A_227, %dma_wait3A_234, %dma_wait3A_235] : memref<4x128x128xf32, #tpu.memory_space<vmem>> -> memref<1x128x128xf32, #tpu.memory_space<vmem>>
    %dma_wait3A_237 = tpu.memref_squeeze %dma_wait3A_236 : memref<1x128x128xf32, #tpu.memory_space<vmem>> -> memref<128x128xf32, #tpu.memory_space<vmem>>
    %dma_wait3A_238 = arith.constant 0 : i32
    %dma_wait3A_239 = tpu.memref_slice %arg3[%add3A_81, %dma_wait3A_238] : memref<32768x128xf32, #tpu.memory_space<hbm>> -> memref<128x128xf32, #tpu.memory_space<hbm>>
    tpu.wait_dma2 semaphore(%arg11 : memref<!tpu.dma_semaphore, #tpu.memory_space<semaphore_mem>>) src(%dma_wait3A_239 : memref<128x128xf32, #tpu.memory_space<hbm>>) dst(%dma_wait3A_237 : memref<128x128xf32, #tpu.memory_space<vmem>>)
    %dma_wait3A_240 = arith.constant 0 : i32
    %dma_wait3A_241 = arith.constant 0 : i32
    %dma_wait3A_242 = arith.constant 0 : i32
    %dma_wait3A_243 = arith.constant 0 : i32
    %dma_wait3A_244 = tpu.memref_slice %arg7[%dma_wait3A_240, %dma_wait3A_242, %dma_wait3A_243] : memref<4x128x128xf32, #tpu.memory_space<vmem>> -> memref<1x128x128xf32, #tpu.memory_space<vmem>>
    %dma_wait3A_245 = tpu.memref_squeeze %dma_wait3A_244 : memref<1x128x128xf32, #tpu.memory_space<vmem>> -> memref<128x128xf32, #tpu.memory_space<vmem>>
    %dma_wait3A_246 = arith.constant 0 : i32
    %dma_wait3A_247 = tpu.memref_slice %arg6[%dma_wait3A_241, %dma_wait3A_246] : memref<8x128xi32, #tpu.memory_space<vmem>> -> memref<1x128xi32, #tpu.memory_space<vmem>>
    %dma_wait3A_248 = tpu.memref_squeeze %dma_wait3A_247 : memref<1x128xi32, #tpu.memory_space<vmem>> -> memref<128xi32, #tpu.memory_space<vmem>>
    %dma_wait3A_249 = arith.constant 0 : i32
    %dma_wait3A_250 = arith.constant 0 : i32
    %dma_wait3A_251 = tpu.memref_slice %arg4[%dma_wait3A_249, %dma_wait3A_250] : memref<32896x128xf32, #tpu.memory_space<hbm>> -> memref<32896x128xf32, #tpu.memory_space<hbm>>
    tpu.wait_indirect_dma semaphore(%arg12 : memref<!tpu.dma_semaphore, #tpu.memory_space<semaphore_mem>>) src(%dma_wait3A_245 : memref<128x128xf32, #tpu.memory_space<vmem>>) dst(%dma_wait3A_251 : memref<32896x128xf32, #tpu.memory_space<hbm>>)
    %add3A_252 = arith.constant 512 : i32
    %add3A_253 = arith.addi %add3A_35, %add3A_252 : i32
    %dma_start3A_254 = arith.constant 0 : i32
    %dma_start3A_255 = arith.constant 0 : i32
    %dma_start3A_256 = arith.constant 0 : i32
    %dma_start3A_257 = tpu.memref_slice %arg7[%dma_start3A_254, %dma_start3A_255, %dma_start3A_256] : memref<4x128x128xf32, #tpu.memory_space<vmem>> -> memref<1x128x128xf32, #tpu.memory_space<vmem>>
    %dma_start3A_258 = tpu.memref_squeeze %dma_start3A_257 : memref<1x128x128xf32, #tpu.memory_space<vmem>> -> memref<128x128xf32, #tpu.memory_space<vmem>>
    %dma_start3A_259 = arith.constant 0 : i32
    %dma_start3A_260 = tpu.memref_slice %arg3[%add3A_253, %dma_start3A_259] : memref<32768x128xf32, #tpu.memory_space<hbm>> -> memref<128x128xf32, #tpu.memory_space<hbm>>
    %dma_start3A_261 = arith.constant 0 : i32
    %dma_start3A_262 = arith.constant 0 : i32
    %dma_start3A_263 = tpu.memref_slice %arg7[%dma_start3A_254, %dma_start3A_261, %dma_start3A_262] : memref<4x128x128xf32, #tpu.memory_space<vmem>> -> memref<1x128x128xf32, #tpu.memory_space<vmem>>
    %dma_start3A_264 = tpu.memref_squeeze %dma_start3A_263 : memref<1x128x128xf32, #tpu.memory_space<vmem>> -> memref<128x128xf32, #tpu.memory_space<vmem>>
    %dma_start3A_265 = arith.constant 0 : i32
    %dma_start3A_266 = tpu.memref_slice %arg3[%add3A_253, %dma_start3A_265] : memref<32768x128xf32, #tpu.memory_space<hbm>> -> memref<128x128xf32, #tpu.memory_space<hbm>>
    tpu.enqueue_dma source(%dma_start3A_266 : memref<128x128xf32, #tpu.memory_space<hbm>>) target(%dma_start3A_264 : memref<128x128xf32, #tpu.memory_space<vmem>>) target_semaphore(%arg8 : memref<!tpu.dma_semaphore, #tpu.memory_space<semaphore_mem>>)
    %dma_start3A_267 = arith.constant 3 : i32
    %dma_start3A_268 = arith.constant 3 : i32
    %dma_start3A_269 = arith.constant 0 : i32
    %dma_start3A_270 = arith.constant 0 : i32
    %dma_start3A_271 = tpu.memref_slice %arg7[%dma_start3A_267, %dma_start3A_269, %dma_start3A_270] : memref<4x128x128xf32, #tpu.memory_space<vmem>> -> memref<1x128x128xf32, #tpu.memory_space<vmem>>
    %dma_start3A_272 = tpu.memref_squeeze %dma_start3A_271 : memref<1x128x128xf32, #tpu.memory_space<vmem>> -> memref<128x128xf32, #tpu.memory_space<vmem>>
    %dma_start3A_273 = arith.constant 0 : i32
    %dma_start3A_274 = tpu.memref_slice %arg6[%dma_start3A_268, %dma_start3A_273] : memref<8x128xi32, #tpu.memory_space<vmem>> -> memref<1x128xi32, #tpu.memory_space<vmem>>
    %dma_start3A_275 = tpu.memref_squeeze %dma_start3A_274 : memref<1x128xi32, #tpu.memory_space<vmem>> -> memref<128xi32, #tpu.memory_space<vmem>>
    %dma_start3A_276 = arith.constant 0 : i32
    %dma_start3A_277 = arith.constant 0 : i32
    %dma_start3A_278 = tpu.memref_slice %arg4[%dma_start3A_276, %dma_start3A_277] : memref<32896x128xf32, #tpu.memory_space<hbm>> -> memref<32896x128xf32, #tpu.memory_space<hbm>>
    tpu.enqueue_indirect_dma source(%dma_start3A_272 : memref<128x128xf32, #tpu.memory_space<vmem>>) target(%dma_start3A_278 : memref<32896x128xf32, #tpu.memory_space<hbm>>) offsets(%dma_start3A_275 : memref<128xi32, #tpu.memory_space<vmem>>) semaphore(%arg15 : memref<!tpu.dma_semaphore, #tpu.memory_space<semaphore_mem>>)
    %dma_wait3A_279 = arith.constant 0 : i32
    %dma_wait3A_280 = arith.constant 0 : i32
    %dma_wait3A_281 = arith.constant 0 : i32
    %dma_wait3A_282 = tpu.memref_slice %arg7[%dma_wait3A_279, %dma_wait3A_280, %dma_wait3A_281] : memref<4x128x128xf32, #tpu.memory_space<vmem>> -> memref<1x128x128xf32, #tpu.memory_space<vmem>>
    %dma_wait3A_283 = tpu.memref_squeeze %dma_wait3A_282 : memref<1x128x128xf32, #tpu.memory_space<vmem>> -> memref<128x128xf32, #tpu.memory_space<vmem>>
    %dma_wait3A_284 = arith.constant 0 : i32
    %dma_wait3A_285 = tpu.memref_slice %arg3[%add3A_253, %dma_wait3A_284] : memref<32768x128xf32, #tpu.memory_space<hbm>> -> memref<128x128xf32, #tpu.memory_space<hbm>>
    %dma_wait3A_286 = arith.constant 0 : i32
    %dma_wait3A_287 = arith.constant 0 : i32
    %dma_wait3A_288 = tpu.memref_slice %arg7[%dma_wait3A_279, %dma_wait3A_286, %dma_wait3A_287] : memref<4x128x128xf32, #tpu.memory_space<vmem>> -> memref<1x128x128xf32, #tpu.memory_space<vmem>>
    %dma_wait3A_289 = tpu.memref_squeeze %dma_wait3A_288 : memref<1x128x128xf32, #tpu.memory_space<vmem>> -> memref<128x128xf32, #tpu.memory_space<vmem>>
    %dma_wait3A_290 = arith.constant 0 : i32
    %dma_wait3A_291 = tpu.memref_slice %arg3[%add3A_253, %dma_wait3A_290] : memref<32768x128xf32, #tpu.memory_space<hbm>> -> memref<128x128xf32, #tpu.memory_space<hbm>>
    tpu.wait_dma2 semaphore(%arg8 : memref<!tpu.dma_semaphore, #tpu.memory_space<semaphore_mem>>) src(%dma_wait3A_291 : memref<128x128xf32, #tpu.memory_space<hbm>>) dst(%dma_wait3A_289 : memref<128x128xf32, #tpu.memory_space<vmem>>)
    %dma_wait3A_292 = arith.constant 1 : i32
    %dma_wait3A_293 = arith.constant 1 : i32
    %dma_wait3A_294 = arith.constant 0 : i32
    %dma_wait3A_295 = arith.constant 0 : i32
    %dma_wait3A_296 = tpu.memref_slice %arg7[%dma_wait3A_292, %dma_wait3A_294, %dma_wait3A_295] : memref<4x128x128xf32, #tpu.memory_space<vmem>> -> memref<1x128x128xf32, #tpu.memory_space<vmem>>
    %dma_wait3A_297 = tpu.memref_squeeze %dma_wait3A_296 : memref<1x128x128xf32, #tpu.memory_space<vmem>> -> memref<128x128xf32, #tpu.memory_space<vmem>>
    %dma_wait3A_298 = arith.constant 0 : i32
    %dma_wait3A_299 = tpu.memref_slice %arg6[%dma_wait3A_293, %dma_wait3A_298] : memref<8x128xi32, #tpu.memory_space<vmem>> -> memref<1x128xi32, #tpu.memory_space<vmem>>
    %dma_wait3A_300 = tpu.memref_squeeze %dma_wait3A_299 : memref<1x128xi32, #tpu.memory_space<vmem>> -> memref<128xi32, #tpu.memory_space<vmem>>
    %dma_wait3A_301 = arith.constant 0 : i32
    %dma_wait3A_302 = arith.constant 0 : i32
    %dma_wait3A_303 = tpu.memref_slice %arg4[%dma_wait3A_301, %dma_wait3A_302] : memref<32896x128xf32, #tpu.memory_space<hbm>> -> memref<32896x128xf32, #tpu.memory_space<hbm>>
    tpu.wait_indirect_dma semaphore(%arg13 : memref<!tpu.dma_semaphore, #tpu.memory_space<semaphore_mem>>) src(%dma_wait3A_297 : memref<128x128xf32, #tpu.memory_space<vmem>>) dst(%dma_wait3A_303 : memref<32896x128xf32, #tpu.memory_space<hbm>>)
    %add3A_304 = arith.constant 640 : i32
    %add3A_305 = arith.addi %add3A_35, %add3A_304 : i32
    %dma_start3A_306 = arith.constant 1 : i32
    %dma_start3A_307 = arith.constant 0 : i32
    %dma_start3A_308 = arith.constant 0 : i32
    %dma_start3A_309 = tpu.memref_slice %arg7[%dma_start3A_306, %dma_start3A_307, %dma_start3A_308] : memref<4x128x128xf32, #tpu.memory_space<vmem>> -> memref<1x128x128xf32, #tpu.memory_space<vmem>>
    %dma_start3A_310 = tpu.memref_squeeze %dma_start3A_309 : memref<1x128x128xf32, #tpu.memory_space<vmem>> -> memref<128x128xf32, #tpu.memory_space<vmem>>
    %dma_start3A_311 = arith.constant 0 : i32
    %dma_start3A_312 = tpu.memref_slice %arg3[%add3A_305, %dma_start3A_311] : memref<32768x128xf32, #tpu.memory_space<hbm>> -> memref<128x128xf32, #tpu.memory_space<hbm>>
    %dma_start3A_313 = arith.constant 0 : i32
    %dma_start3A_314 = arith.constant 0 : i32
    %dma_start3A_315 = tpu.memref_slice %arg7[%dma_start3A_306, %dma_start3A_313, %dma_start3A_314] : memref<4x128x128xf32, #tpu.memory_space<vmem>> -> memref<1x128x128xf32, #tpu.memory_space<vmem>>
    %dma_start3A_316 = tpu.memref_squeeze %dma_start3A_315 : memref<1x128x128xf32, #tpu.memory_space<vmem>> -> memref<128x128xf32, #tpu.memory_space<vmem>>
    %dma_start3A_317 = arith.constant 0 : i32
    %dma_start3A_318 = tpu.memref_slice %arg3[%add3A_305, %dma_start3A_317] : memref<32768x128xf32, #tpu.memory_space<hbm>> -> memref<128x128xf32, #tpu.memory_space<hbm>>
    tpu.enqueue_dma source(%dma_start3A_318 : memref<128x128xf32, #tpu.memory_space<hbm>>) target(%dma_start3A_316 : memref<128x128xf32, #tpu.memory_space<vmem>>) target_semaphore(%arg9 : memref<!tpu.dma_semaphore, #tpu.memory_space<semaphore_mem>>)
    %dma_start3A_319 = arith.constant 0 : i32
    %dma_start3A_320 = arith.constant 4 : i32
    %dma_start3A_321 = arith.constant 0 : i32
    %dma_start3A_322 = arith.constant 0 : i32
    %dma_start3A_323 = tpu.memref_slice %arg7[%dma_start3A_319, %dma_start3A_321, %dma_start3A_322] : memref<4x128x128xf32, #tpu.memory_space<vmem>> -> memref<1x128x128xf32, #tpu.memory_space<vmem>>
    %dma_start3A_324 = tpu.memref_squeeze %dma_start3A_323 : memref<1x128x128xf32, #tpu.memory_space<vmem>> -> memref<128x128xf32, #tpu.memory_space<vmem>>
    %dma_start3A_325 = arith.constant 0 : i32
    %dma_start3A_326 = tpu.memref_slice %arg6[%dma_start3A_320, %dma_start3A_325] : memref<8x128xi32, #tpu.memory_space<vmem>> -> memref<1x128xi32, #tpu.memory_space<vmem>>
    %dma_start3A_327 = tpu.memref_squeeze %dma_start3A_326 : memref<1x128xi32, #tpu.memory_space<vmem>> -> memref<128xi32, #tpu.memory_space<vmem>>
    %dma_start3A_328 = arith.constant 0 : i32
    %dma_start3A_329 = arith.constant 0 : i32
    %dma_start3A_330 = tpu.memref_slice %arg4[%dma_start3A_328, %dma_start3A_329] : memref<32896x128xf32, #tpu.memory_space<hbm>> -> memref<32896x128xf32, #tpu.memory_space<hbm>>
    tpu.enqueue_indirect_dma source(%dma_start3A_324 : memref<128x128xf32, #tpu.memory_space<vmem>>) target(%dma_start3A_330 : memref<32896x128xf32, #tpu.memory_space<hbm>>) offsets(%dma_start3A_327 : memref<128xi32, #tpu.memory_space<vmem>>) semaphore(%arg12 : memref<!tpu.dma_semaphore, #tpu.memory_space<semaphore_mem>>)
    %dma_wait3A_331 = arith.constant 1 : i32
    %dma_wait3A_332 = arith.constant 0 : i32
    %dma_wait3A_333 = arith.constant 0 : i32
    %dma_wait3A_334 = tpu.memref_slice %arg7[%dma_wait3A_331, %dma_wait3A_332, %dma_wait3A_333] : memref<4x128x128xf32, #tpu.memory_space<vmem>> -> memref<1x128x128xf32, #tpu.memory_space<vmem>>
    %dma_wait3A_335 = tpu.memref_squeeze %dma_wait3A_334 : memref<1x128x128xf32, #tpu.memory_space<vmem>> -> memref<128x128xf32, #tpu.memory_space<vmem>>
    %dma_wait3A_336 = arith.constant 0 : i32
    %dma_wait3A_337 = tpu.memref_slice %arg3[%add3A_305, %dma_wait3A_336] : memref<32768x128xf32, #tpu.memory_space<hbm>> -> memref<128x128xf32, #tpu.memory_space<hbm>>
    %dma_wait3A_338 = arith.constant 0 : i32
    %dma_wait3A_339 = arith.constant 0 : i32
    %dma_wait3A_340 = tpu.memref_slice %arg7[%dma_wait3A_331, %dma_wait3A_338, %dma_wait3A_339] : memref<4x128x128xf32, #tpu.memory_space<vmem>> -> memref<1x128x128xf32, #tpu.memory_space<vmem>>
    %dma_wait3A_341 = tpu.memref_squeeze %dma_wait3A_340 : memref<1x128x128xf32, #tpu.memory_space<vmem>> -> memref<128x128xf32, #tpu.memory_space<vmem>>
    %dma_wait3A_342 = arith.constant 0 : i32
    %dma_wait3A_343 = tpu.memref_slice %arg3[%add3A_305, %dma_wait3A_342] : memref<32768x128xf32, #tpu.memory_space<hbm>> -> memref<128x128xf32, #tpu.memory_space<hbm>>
    tpu.wait_dma2 semaphore(%arg9 : memref<!tpu.dma_semaphore, #tpu.memory_space<semaphore_mem>>) src(%dma_wait3A_343 : memref<128x128xf32, #tpu.memory_space<hbm>>) dst(%dma_wait3A_341 : memref<128x128xf32, #tpu.memory_space<vmem>>)
    %dma_wait3A_344 = arith.constant 2 : i32
    %dma_wait3A_345 = arith.constant 2 : i32
    %dma_wait3A_346 = arith.constant 0 : i32
    %dma_wait3A_347 = arith.constant 0 : i32
    %dma_wait3A_348 = tpu.memref_slice %arg7[%dma_wait3A_344, %dma_wait3A_346, %dma_wait3A_347] : memref<4x128x128xf32, #tpu.memory_space<vmem>> -> memref<1x128x128xf32, #tpu.memory_space<vmem>>
    %dma_wait3A_349 = tpu.memref_squeeze %dma_wait3A_348 : memref<1x128x128xf32, #tpu.memory_space<vmem>> -> memref<128x128xf32, #tpu.memory_space<vmem>>
    %dma_wait3A_350 = arith.constant 0 : i32
    %dma_wait3A_351 = tpu.memref_slice %arg6[%dma_wait3A_345, %dma_wait3A_350] : memref<8x128xi32, #tpu.memory_space<vmem>> -> memref<1x128xi32, #tpu.memory_space<vmem>>
    %dma_wait3A_352 = tpu.memref_squeeze %dma_wait3A_351 : memref<1x128xi32, #tpu.memory_space<vmem>> -> memref<128xi32, #tpu.memory_space<vmem>>
    %dma_wait3A_353 = arith.constant 0 : i32
    %dma_wait3A_354 = arith.constant 0 : i32
    %dma_wait3A_355 = tpu.memref_slice %arg4[%dma_wait3A_353, %dma_wait3A_354] : memref<32896x128xf32, #tpu.memory_space<hbm>> -> memref<32896x128xf32, #tpu.memory_space<hbm>>
    tpu.wait_indirect_dma semaphore(%arg14 : memref<!tpu.dma_semaphore, #tpu.memory_space<semaphore_mem>>) src(%dma_wait3A_349 : memref<128x128xf32, #tpu.memory_space<vmem>>) dst(%dma_wait3A_355 : memref<32896x128xf32, #tpu.memory_space<hbm>>)
    %add3A_356 = arith.constant 768 : i32
    %add3A_357 = arith.addi %add3A_35, %add3A_356 : i32
    %dma_start3A_358 = arith.constant 2 : i32
    %dma_start3A_359 = arith.constant 0 : i32
    %dma_start3A_360 = arith.constant 0 : i32
    %dma_start3A_361 = tpu.memref_slice %arg7[%dma_start3A_358, %dma_start3A_359, %dma_start3A_360] : memref<4x128x128xf32, #tpu.memory_space<vmem>> -> memref<1x128x128xf32, #tpu.memory_space<vmem>>
    %dma_start3A_362 = tpu.memref_squeeze %dma_start3A_361 : memref<1x128x128xf32, #tpu.memory_space<vmem>> -> memref<128x128xf32, #tpu.memory_space<vmem>>
    %dma_start3A_363 = arith.constant 0 : i32
    %dma_start3A_364 = tpu.memref_slice %arg3[%add3A_357, %dma_start3A_363] : memref<32768x128xf32, #tpu.memory_space<hbm>> -> memref<128x128xf32, #tpu.memory_space<hbm>>
    %dma_start3A_365 = arith.constant 0 : i32
    %dma_start3A_366 = arith.constant 0 : i32
    %dma_start3A_367 = tpu.memref_slice %arg7[%dma_start3A_358, %dma_start3A_365, %dma_start3A_366] : memref<4x128x128xf32, #tpu.memory_space<vmem>> -> memref<1x128x128xf32, #tpu.memory_space<vmem>>
    %dma_start3A_368 = tpu.memref_squeeze %dma_start3A_367 : memref<1x128x128xf32, #tpu.memory_space<vmem>> -> memref<128x128xf32, #tpu.memory_space<vmem>>
    %dma_start3A_369 = arith.constant 0 : i32
    %dma_start3A_370 = tpu.memref_slice %arg3[%add3A_357, %dma_start3A_369] : memref<32768x128xf32, #tpu.memory_space<hbm>> -> memref<128x128xf32, #tpu.memory_space<hbm>>
    tpu.enqueue_dma source(%dma_start3A_370 : memref<128x128xf32, #tpu.memory_space<hbm>>) target(%dma_start3A_368 : memref<128x128xf32, #tpu.memory_space<vmem>>) target_semaphore(%arg10 : memref<!tpu.dma_semaphore, #tpu.memory_space<semaphore_mem>>)
    %dma_start3A_371 = arith.constant 1 : i32
    %dma_start3A_372 = arith.constant 5 : i32
    %dma_start3A_373 = arith.constant 0 : i32
    %dma_start3A_374 = arith.constant 0 : i32
    %dma_start3A_375 = tpu.memref_slice %arg7[%dma_start3A_371, %dma_start3A_373, %dma_start3A_374] : memref<4x128x128xf32, #tpu.memory_space<vmem>> -> memref<1x128x128xf32, #tpu.memory_space<vmem>>
    %dma_start3A_376 = tpu.memref_squeeze %dma_start3A_375 : memref<1x128x128xf32, #tpu.memory_space<vmem>> -> memref<128x128xf32, #tpu.memory_space<vmem>>
    %dma_start3A_377 = arith.constant 0 : i32
    %dma_start3A_378 = tpu.memref_slice %arg6[%dma_start3A_372, %dma_start3A_377] : memref<8x128xi32, #tpu.memory_space<vmem>> -> memref<1x128xi32, #tpu.memory_space<vmem>>
    %dma_start3A_379 = tpu.memref_squeeze %dma_start3A_378 : memref<1x128xi32, #tpu.memory_space<vmem>> -> memref<128xi32, #tpu.memory_space<vmem>>
    %dma_start3A_380 = arith.constant 0 : i32
    %dma_start3A_381 = arith.constant 0 : i32
    %dma_start3A_382 = tpu.memref_slice %arg4[%dma_start3A_380, %dma_start3A_381] : memref<32896x128xf32, #tpu.memory_space<hbm>> -> memref<32896x128xf32, #tpu.memory_space<hbm>>
    tpu.enqueue_indirect_dma source(%dma_start3A_376 : memref<128x128xf32, #tpu.memory_space<vmem>>) target(%dma_start3A_382 : memref<32896x128xf32, #tpu.memory_space<hbm>>) offsets(%dma_start3A_379 : memref<128xi32, #tpu.memory_space<vmem>>) semaphore(%arg13 : memref<!tpu.dma_semaphore, #tpu.memory_space<semaphore_mem>>)
    %dma_wait3A_383 = arith.constant 2 : i32
    %dma_wait3A_384 = arith.constant 0 : i32
    %dma_wait3A_385 = arith.constant 0 : i32
    %dma_wait3A_386 = tpu.memref_slice %arg7[%dma_wait3A_383, %dma_wait3A_384, %dma_wait3A_385] : memref<4x128x128xf32, #tpu.memory_space<vmem>> -> memref<1x128x128xf32, #tpu.memory_space<vmem>>
    %dma_wait3A_387 = tpu.memref_squeeze %dma_wait3A_386 : memref<1x128x128xf32, #tpu.memory_space<vmem>> -> memref<128x128xf32, #tpu.memory_space<vmem>>
    %dma_wait3A_388 = arith.constant 0 : i32
    %dma_wait3A_389 = tpu.memref_slice %arg3[%add3A_357, %dma_wait3A_388] : memref<32768x128xf32, #tpu.memory_space<hbm>> -> memref<128x128xf32, #tpu.memory_space<hbm>>
    %dma_wait3A_390 = arith.constant 0 : i32
    %dma_wait3A_391 = arith.constant 0 : i32
    %dma_wait3A_392 = tpu.memref_slice %arg7[%dma_wait3A_383, %dma_wait3A_390, %dma_wait3A_391] : memref<4x128x128xf32, #tpu.memory_space<vmem>> -> memref<1x128x128xf32, #tpu.memory_space<vmem>>
    %dma_wait3A_393 = tpu.memref_squeeze %dma_wait3A_392 : memref<1x128x128xf32, #tpu.memory_space<vmem>> -> memref<128x128xf32, #tpu.memory_space<vmem>>
    %dma_wait3A_394 = arith.constant 0 : i32
    %dma_wait3A_395 = tpu.memref_slice %arg3[%add3A_357, %dma_wait3A_394] : memref<32768x128xf32, #tpu.memory_space<hbm>> -> memref<128x128xf32, #tpu.memory_space<hbm>>
    tpu.wait_dma2 semaphore(%arg10 : memref<!tpu.dma_semaphore, #tpu.memory_space<semaphore_mem>>) src(%dma_wait3A_395 : memref<128x128xf32, #tpu.memory_space<hbm>>) dst(%dma_wait3A_393 : memref<128x128xf32, #tpu.memory_space<vmem>>)
    %dma_wait3A_396 = arith.constant 3 : i32
    %dma_wait3A_397 = arith.constant 3 : i32
    %dma_wait3A_398 = arith.constant 0 : i32
    %dma_wait3A_399 = arith.constant 0 : i32
    %dma_wait3A_400 = tpu.memref_slice %arg7[%dma_wait3A_396, %dma_wait3A_398, %dma_wait3A_399] : memref<4x128x128xf32, #tpu.memory_space<vmem>> -> memref<1x128x128xf32, #tpu.memory_space<vmem>>
    %dma_wait3A_401 = tpu.memref_squeeze %dma_wait3A_400 : memref<1x128x128xf32, #tpu.memory_space<vmem>> -> memref<128x128xf32, #tpu.memory_space<vmem>>
    %dma_wait3A_402 = arith.constant 0 : i32
    %dma_wait3A_403 = tpu.memref_slice %arg6[%dma_wait3A_397, %dma_wait3A_402] : memref<8x128xi32, #tpu.memory_space<vmem>> -> memref<1x128xi32, #tpu.memory_space<vmem>>
    %dma_wait3A_404 = tpu.memref_squeeze %dma_wait3A_403 : memref<1x128xi32, #tpu.memory_space<vmem>> -> memref<128xi32, #tpu.memory_space<vmem>>
    %dma_wait3A_405 = arith.constant 0 : i32
    %dma_wait3A_406 = arith.constant 0 : i32
    %dma_wait3A_407 = tpu.memref_slice %arg4[%dma_wait3A_405, %dma_wait3A_406] : memref<32896x128xf32, #tpu.memory_space<hbm>> -> memref<32896x128xf32, #tpu.memory_space<hbm>>
    tpu.wait_indirect_dma semaphore(%arg15 : memref<!tpu.dma_semaphore, #tpu.memory_space<semaphore_mem>>) src(%dma_wait3A_401 : memref<128x128xf32, #tpu.memory_space<vmem>>) dst(%dma_wait3A_407 : memref<32896x128xf32, #tpu.memory_space<hbm>>)
    %add3A_408 = arith.constant 896 : i32
    %add3A_409 = arith.addi %add3A_35, %add3A_408 : i32
    %dma_start3A_410 = arith.constant 3 : i32
    %dma_start3A_411 = arith.constant 0 : i32
    %dma_start3A_412 = arith.constant 0 : i32
    %dma_start3A_413 = tpu.memref_slice %arg7[%dma_start3A_410, %dma_start3A_411, %dma_start3A_412] : memref<4x128x128xf32, #tpu.memory_space<vmem>> -> memref<1x128x128xf32, #tpu.memory_space<vmem>>
    %dma_start3A_414 = tpu.memref_squeeze %dma_start3A_413 : memref<1x128x128xf32, #tpu.memory_space<vmem>> -> memref<128x128xf32, #tpu.memory_space<vmem>>
    %dma_start3A_415 = arith.constant 0 : i32
    %dma_start3A_416 = tpu.memref_slice %arg3[%add3A_409, %dma_start3A_415] : memref<32768x128xf32, #tpu.memory_space<hbm>> -> memref<128x128xf32, #tpu.memory_space<hbm>>
    %dma_start3A_417 = arith.constant 0 : i32
    %dma_start3A_418 = arith.constant 0 : i32
    %dma_start3A_419 = tpu.memref_slice %arg7[%dma_start3A_410, %dma_start3A_417, %dma_start3A_418] : memref<4x128x128xf32, #tpu.memory_space<vmem>> -> memref<1x128x128xf32, #tpu.memory_space<vmem>>
    %dma_start3A_420 = tpu.memref_squeeze %dma_start3A_419 : memref<1x128x128xf32, #tpu.memory_space<vmem>> -> memref<128x128xf32, #tpu.memory_space<vmem>>
    %dma_start3A_421 = arith.constant 0 : i32
    %dma_start3A_422 = tpu.memref_slice %arg3[%add3A_409, %dma_start3A_421] : memref<32768x128xf32, #tpu.memory_space<hbm>> -> memref<128x128xf32, #tpu.memory_space<hbm>>
    tpu.enqueue_dma source(%dma_start3A_422 : memref<128x128xf32, #tpu.memory_space<hbm>>) target(%dma_start3A_420 : memref<128x128xf32, #tpu.memory_space<vmem>>) target_semaphore(%arg11 : memref<!tpu.dma_semaphore, #tpu.memory_space<semaphore_mem>>)
    %dma_start3A_423 = arith.constant 2 : i32
    %dma_start3A_424 = arith.constant 6 : i32
    %dma_start3A_425 = arith.constant 0 : i32
    %dma_start3A_426 = arith.constant 0 : i32
    %dma_start3A_427 = tpu.memref_slice %arg7[%dma_start3A_423, %dma_start3A_425, %dma_start3A_426] : memref<4x128x128xf32, #tpu.memory_space<vmem>> -> memref<1x128x128xf32, #tpu.memory_space<vmem>>
    %dma_start3A_428 = tpu.memref_squeeze %dma_start3A_427 : memref<1x128x128xf32, #tpu.memory_space<vmem>> -> memref<128x128xf32, #tpu.memory_space<vmem>>
    %dma_start3A_429 = arith.constant 0 : i32
    %dma_start3A_430 = tpu.memref_slice %arg6[%dma_start3A_424, %dma_start3A_429] : memref<8x128xi32, #tpu.memory_space<vmem>> -> memref<1x128xi32, #tpu.memory_space<vmem>>
    %dma_start3A_431 = tpu.memref_squeeze %dma_start3A_430 : memref<1x128xi32, #tpu.memory_space<vmem>> -> memref<128xi32, #tpu.memory_space<vmem>>
    %dma_start3A_432 = arith.constant 0 : i32
    %dma_start3A_433 = arith.constant 0 : i32
    %dma_start3A_434 = tpu.memref_slice %arg4[%dma_start3A_432, %dma_start3A_433] : memref<32896x128xf32, #tpu.memory_space<hbm>> -> memref<32896x128xf32, #tpu.memory_space<hbm>>
    tpu.enqueue_indirect_dma source(%dma_start3A_428 : memref<128x128xf32, #tpu.memory_space<vmem>>) target(%dma_start3A_434 : memref<32896x128xf32, #tpu.memory_space<hbm>>) offsets(%dma_start3A_431 : memref<128xi32, #tpu.memory_space<vmem>>) semaphore(%arg14 : memref<!tpu.dma_semaphore, #tpu.memory_space<semaphore_mem>>)
    %dma_wait3A_435 = arith.constant 3 : i32
    %dma_wait3A_436 = arith.constant 0 : i32
    %dma_wait3A_437 = arith.constant 0 : i32
    %dma_wait3A_438 = tpu.memref_slice %arg7[%dma_wait3A_435, %dma_wait3A_436, %dma_wait3A_437] : memref<4x128x128xf32, #tpu.memory_space<vmem>> -> memref<1x128x128xf32, #tpu.memory_space<vmem>>
    %dma_wait3A_439 = tpu.memref_squeeze %dma_wait3A_438 : memref<1x128x128xf32, #tpu.memory_space<vmem>> -> memref<128x128xf32, #tpu.memory_space<vmem>>
    %dma_wait3A_440 = arith.constant 0 : i32
    %dma_wait3A_441 = tpu.memref_slice %arg3[%add3A_409, %dma_wait3A_440] : memref<32768x128xf32, #tpu.memory_space<hbm>> -> memref<128x128xf32, #tpu.memory_space<hbm>>
    %dma_wait3A_442 = arith.constant 0 : i32
    %dma_wait3A_443 = arith.constant 0 : i32
    %dma_wait3A_444 = tpu.memref_slice %arg7[%dma_wait3A_435, %dma_wait3A_442, %dma_wait3A_443] : memref<4x128x128xf32, #tpu.memory_space<vmem>> -> memref<1x128x128xf32, #tpu.memory_space<vmem>>
    %dma_wait3A_445 = tpu.memref_squeeze %dma_wait3A_444 : memref<1x128x128xf32, #tpu.memory_space<vmem>> -> memref<128x128xf32, #tpu.memory_space<vmem>>
    %dma_wait3A_446 = arith.constant 0 : i32
    %dma_wait3A_447 = tpu.memref_slice %arg3[%add3A_409, %dma_wait3A_446] : memref<32768x128xf32, #tpu.memory_space<hbm>> -> memref<128x128xf32, #tpu.memory_space<hbm>>
    tpu.wait_dma2 semaphore(%arg11 : memref<!tpu.dma_semaphore, #tpu.memory_space<semaphore_mem>>) src(%dma_wait3A_447 : memref<128x128xf32, #tpu.memory_space<hbm>>) dst(%dma_wait3A_445 : memref<128x128xf32, #tpu.memory_space<vmem>>)
    %dma_start3A_448 = arith.constant 3 : i32
    %dma_start3A_449 = arith.constant 7 : i32
    %dma_start3A_450 = arith.constant 0 : i32
    %dma_start3A_451 = arith.constant 0 : i32
    %dma_start3A_452 = tpu.memref_slice %arg7[%dma_start3A_448, %dma_start3A_450, %dma_start3A_451] : memref<4x128x128xf32, #tpu.memory_space<vmem>> -> memref<1x128x128xf32, #tpu.memory_space<vmem>>
    %dma_start3A_453 = tpu.memref_squeeze %dma_start3A_452 : memref<1x128x128xf32, #tpu.memory_space<vmem>> -> memref<128x128xf32, #tpu.memory_space<vmem>>
    %dma_start3A_454 = arith.constant 0 : i32
    %dma_start3A_455 = tpu.memref_slice %arg6[%dma_start3A_449, %dma_start3A_454] : memref<8x128xi32, #tpu.memory_space<vmem>> -> memref<1x128xi32, #tpu.memory_space<vmem>>
    %dma_start3A_456 = tpu.memref_squeeze %dma_start3A_455 : memref<1x128xi32, #tpu.memory_space<vmem>> -> memref<128xi32, #tpu.memory_space<vmem>>
    %dma_start3A_457 = arith.constant 0 : i32
    %dma_start3A_458 = arith.constant 0 : i32
    %dma_start3A_459 = tpu.memref_slice %arg4[%dma_start3A_457, %dma_start3A_458] : memref<32896x128xf32, #tpu.memory_space<hbm>> -> memref<32896x128xf32, #tpu.memory_space<hbm>>
    tpu.enqueue_indirect_dma source(%dma_start3A_453 : memref<128x128xf32, #tpu.memory_space<vmem>>) target(%dma_start3A_459 : memref<32896x128xf32, #tpu.memory_space<hbm>>) offsets(%dma_start3A_456 : memref<128xi32, #tpu.memory_space<vmem>>) semaphore(%arg15 : memref<!tpu.dma_semaphore, #tpu.memory_space<semaphore_mem>>)
    %dma_wait3A_460 = arith.constant 0 : i32
    %dma_wait3A_461 = arith.constant 4 : i32
    %dma_wait3A_462 = arith.constant 0 : i32
    %dma_wait3A_463 = arith.constant 0 : i32
    %dma_wait3A_464 = tpu.memref_slice %arg7[%dma_wait3A_460, %dma_wait3A_462, %dma_wait3A_463] : memref<4x128x128xf32, #tpu.memory_space<vmem>> -> memref<1x128x128xf32, #tpu.memory_space<vmem>>
    %dma_wait3A_465 = tpu.memref_squeeze %dma_wait3A_464 : memref<1x128x128xf32, #tpu.memory_space<vmem>> -> memref<128x128xf32, #tpu.memory_space<vmem>>
    %dma_wait3A_466 = arith.constant 0 : i32
    %dma_wait3A_467 = tpu.memref_slice %arg6[%dma_wait3A_461, %dma_wait3A_466] : memref<8x128xi32, #tpu.memory_space<vmem>> -> memref<1x128xi32, #tpu.memory_space<vmem>>
    %dma_wait3A_468 = tpu.memref_squeeze %dma_wait3A_467 : memref<1x128xi32, #tpu.memory_space<vmem>> -> memref<128xi32, #tpu.memory_space<vmem>>
    %dma_wait3A_469 = arith.constant 0 : i32
    %dma_wait3A_470 = arith.constant 0 : i32
    %dma_wait3A_471 = tpu.memref_slice %arg4[%dma_wait3A_469, %dma_wait3A_470] : memref<32896x128xf32, #tpu.memory_space<hbm>> -> memref<32896x128xf32, #tpu.memory_space<hbm>>
    tpu.wait_indirect_dma semaphore(%arg12 : memref<!tpu.dma_semaphore, #tpu.memory_space<semaphore_mem>>) src(%dma_wait3A_465 : memref<128x128xf32, #tpu.memory_space<vmem>>) dst(%dma_wait3A_471 : memref<32896x128xf32, #tpu.memory_space<hbm>>)
    %dma_wait3A_472 = arith.constant 1 : i32
    %dma_wait3A_473 = arith.constant 5 : i32
    %dma_wait3A_474 = arith.constant 0 : i32
    %dma_wait3A_475 = arith.constant 0 : i32
    %dma_wait3A_476 = tpu.memref_slice %arg7[%dma_wait3A_472, %dma_wait3A_474, %dma_wait3A_475] : memref<4x128x128xf32, #tpu.memory_space<vmem>> -> memref<1x128x128xf32, #tpu.memory_space<vmem>>
    %dma_wait3A_477 = tpu.memref_squeeze %dma_wait3A_476 : memref<1x128x128xf32, #tpu.memory_space<vmem>> -> memref<128x128xf32, #tpu.memory_space<vmem>>
    %dma_wait3A_478 = arith.constant 0 : i32
    %dma_wait3A_479 = tpu.memref_slice %arg6[%dma_wait3A_473, %dma_wait3A_478] : memref<8x128xi32, #tpu.memory_space<vmem>> -> memref<1x128xi32, #tpu.memory_space<vmem>>
    %dma_wait3A_480 = tpu.memref_squeeze %dma_wait3A_479 : memref<1x128xi32, #tpu.memory_space<vmem>> -> memref<128xi32, #tpu.memory_space<vmem>>
    %dma_wait3A_481 = arith.constant 0 : i32
    %dma_wait3A_482 = arith.constant 0 : i32
    %dma_wait3A_483 = tpu.memref_slice %arg4[%dma_wait3A_481, %dma_wait3A_482] : memref<32896x128xf32, #tpu.memory_space<hbm>> -> memref<32896x128xf32, #tpu.memory_space<hbm>>
    tpu.wait_indirect_dma semaphore(%arg13 : memref<!tpu.dma_semaphore, #tpu.memory_space<semaphore_mem>>) src(%dma_wait3A_477 : memref<128x128xf32, #tpu.memory_space<vmem>>) dst(%dma_wait3A_483 : memref<32896x128xf32, #tpu.memory_space<hbm>>)
    %dma_wait3A_484 = arith.constant 2 : i32
    %dma_wait3A_485 = arith.constant 6 : i32
    %dma_wait3A_486 = arith.constant 0 : i32
    %dma_wait3A_487 = arith.constant 0 : i32
    %dma_wait3A_488 = tpu.memref_slice %arg7[%dma_wait3A_484, %dma_wait3A_486, %dma_wait3A_487] : memref<4x128x128xf32, #tpu.memory_space<vmem>> -> memref<1x128x128xf32, #tpu.memory_space<vmem>>
    %dma_wait3A_489 = tpu.memref_squeeze %dma_wait3A_488 : memref<1x128x128xf32, #tpu.memory_space<vmem>> -> memref<128x128xf32, #tpu.memory_space<vmem>>
    %dma_wait3A_490 = arith.constant 0 : i32
    %dma_wait3A_491 = tpu.memref_slice %arg6[%dma_wait3A_485, %dma_wait3A_490] : memref<8x128xi32, #tpu.memory_space<vmem>> -> memref<1x128xi32, #tpu.memory_space<vmem>>
    %dma_wait3A_492 = tpu.memref_squeeze %dma_wait3A_491 : memref<1x128xi32, #tpu.memory_space<vmem>> -> memref<128xi32, #tpu.memory_space<vmem>>
    %dma_wait3A_493 = arith.constant 0 : i32
    %dma_wait3A_494 = arith.constant 0 : i32
    %dma_wait3A_495 = tpu.memref_slice %arg4[%dma_wait3A_493, %dma_wait3A_494] : memref<32896x128xf32, #tpu.memory_space<hbm>> -> memref<32896x128xf32, #tpu.memory_space<hbm>>
    tpu.wait_indirect_dma semaphore(%arg14 : memref<!tpu.dma_semaphore, #tpu.memory_space<semaphore_mem>>) src(%dma_wait3A_489 : memref<128x128xf32, #tpu.memory_space<vmem>>) dst(%dma_wait3A_495 : memref<32896x128xf32, #tpu.memory_space<hbm>>)
    %dma_wait3A_496 = arith.constant 3 : i32
    %dma_wait3A_497 = arith.constant 7 : i32
    %dma_wait3A_498 = arith.constant 0 : i32
    %dma_wait3A_499 = arith.constant 0 : i32
    %dma_wait3A_500 = tpu.memref_slice %arg7[%dma_wait3A_496, %dma_wait3A_498, %dma_wait3A_499] : memref<4x128x128xf32, #tpu.memory_space<vmem>> -> memref<1x128x128xf32, #tpu.memory_space<vmem>>
    %dma_wait3A_501 = tpu.memref_squeeze %dma_wait3A_500 : memref<1x128x128xf32, #tpu.memory_space<vmem>> -> memref<128x128xf32, #tpu.memory_space<vmem>>
    %dma_wait3A_502 = arith.constant 0 : i32
    %dma_wait3A_503 = tpu.memref_slice %arg6[%dma_wait3A_497, %dma_wait3A_502] : memref<8x128xi32, #tpu.memory_space<vmem>> -> memref<1x128xi32, #tpu.memory_space<vmem>>
    %dma_wait3A_504 = tpu.memref_squeeze %dma_wait3A_503 : memref<1x128xi32, #tpu.memory_space<vmem>> -> memref<128xi32, #tpu.memory_space<vmem>>
    %dma_wait3A_505 = arith.constant 0 : i32
    %dma_wait3A_506 = arith.constant 0 : i32
    %dma_wait3A_507 = tpu.memref_slice %arg4[%dma_wait3A_505, %dma_wait3A_506] : memref<32896x128xf32, #tpu.memory_space<hbm>> -> memref<32896x128xf32, #tpu.memory_space<hbm>>
    tpu.wait_indirect_dma semaphore(%arg15 : memref<!tpu.dma_semaphore, #tpu.memory_space<semaphore_mem>>) src(%dma_wait3A_501 : memref<128x128xf32, #tpu.memory_space<vmem>>) dst(%dma_wait3A_507 : memref<32896x128xf32, #tpu.memory_space<hbm>>)
    return
  }
}

module attributes {stable_mosaic.version = 14 : i64} {
  func.func @_prep_body(%arg0: i32, %arg1: memref<1x21x2048xf32, #tpu.memory_space<vmem>>, %arg2: memref<30x2048xf32, #tpu.memory_space<vmem>>, %arg3: memref<3x2048xf32, #tpu.memory_space<vmem>>, %arg4: memref<2048x128xf32, #tpu.memory_space<vmem>>, %arg5: memref<1x1x2048xi32, #tpu.memory_space<vmem>>) attributes {dimension_semantics = [#tpu.dimension_semantics<arbitrary>], iteration_bounds = array<i64: 16>, scalar_prefetch = 0 : i64, scratch_operands = 0 : i64, tpu.core_type = #tpu.core_type<tc>, window_params = [{transform_indices = @transform_0, window_bounds = array<i64: 1, 21, 2048>}, {pipeline_mode = #tpu.pipeline_mode<synchronous>, transform_indices = @transform_1, window_bounds = array<i64: 30, 2048>}, {pipeline_mode = #tpu.pipeline_mode<synchronous>, transform_indices = @transform_2, window_bounds = array<i64: 3, 2048>}, {transform_indices = @transform_3, window_bounds = array<i64: 2048, 128>}, {transform_indices = @transform_4, window_bounds = array<i64: 1, 1, 2048>}]} {
    %get3A = arith.constant 0 : index
    %get3A_0 = arith.constant 0 : index
    %get3A_1 = arith.constant 0 : index
    %get3A_2 = vector.load %arg1[%get3A, %get3A_0, %get3A_1] : memref<1x21x2048xf32, #tpu.memory_space<vmem>>, vector<1x21x2048xf32>
    %get3A_3 = vector.shape_cast %get3A_2 : vector<1x21x2048xf32> to vector<21x2048xf32>
    %slice3A = vector.extract_strided_slice %get3A_3 {offsets = [0, 0], sizes = [1, 2048], strides = [1, 1]} : vector<21x2048xf32> to vector<1x2048xf32>
    %slice3A_4 = vector.extract_strided_slice %get3A_3 {offsets = [1, 0], sizes = [20, 2048], strides = [1, 1]} : vector<21x2048xf32> to vector<20x2048xf32>
    %reduce_max3A = arith.constant dense<0xFF800000> : vector<2048xf32>
    %reduce_max3A_5 = vector.multi_reduction <maximumf>, %slice3A_4, %reduce_max3A [0] : vector<20x2048xf32> to vector<2048xf32>
    %broadcast_in_dim3A = vector.shape_cast %reduce_max3A_5 : vector<2048xf32> to vector<1x2048xf32>
    %gt3A = arith.cmpf ogt, %broadcast_in_dim3A, %slice3A : vector<1x2048xf32>
    %convert_element_type3A = arith.extui %gt3A : vector<1x2048xi1> to vector<1x2048xi32>
    %swap3A = arith.constant 0 : index
    %swap3A_6 = arith.constant 0 : index
    %swap3A_7 = arith.constant 0 : index
    %swap3A_8 = vector.load %arg5[%swap3A, %swap3A_6, %swap3A_7] : memref<1x1x2048xi32, #tpu.memory_space<vmem>>, vector<1x1x2048xi32>
    %swap3A_9 = vector.shape_cast %swap3A_8 : vector<1x1x2048xi32> to vector<1x2048xi32>
    %swap3A_10 = vector.shape_cast %convert_element_type3A : vector<1x2048xi32> to vector<1x1x2048xi32>
    tpu.vector_store %arg5[%swap3A, %swap3A_6, %swap3A_7], %swap3A_10 {strides = array<i32>} : memref<1x1x2048xi32, #tpu.memory_space<vmem>>, vector<1x1x2048xi32>,
    %get3A_11 = arith.constant 0 : index
    %get3A_12 = arith.constant 0 : index
    %get3A_13 = vector.load %arg2[%get3A_11, %get3A_12] : memref<30x2048xf32, #tpu.memory_space<vmem>>, vector<30x2048xf32>
    %get3A_14 = arith.constant 0 : index
    %get3A_15 = arith.constant 0 : index
    %get3A_16 = vector.load %arg3[%get3A_14, %get3A_15] : memref<3x2048xf32, #tpu.memory_space<vmem>>, vector<3x2048xf32>
    %broadcast_in_dim3A_17 = arith.constant 0.000000e+00 : f32
    %broadcast_in_dim3A_18 = vector.broadcast %broadcast_in_dim3A_17 : f32 to vector<11x2048xf32>
    %concatenate3A = tpu.concatenate %slice3A_4, %get3A_13, %get3A_16, %broadcast_in_dim3A_18 in 0 : vector<20x2048xf32>, vector<30x2048xf32>, vector<3x2048xf32>, vector<11x2048xf32> -> vector<64x2048xf32>
    %transpose3A = tpu.transpose %concatenate3A, [1, 0] : vector<64x2048xf32> -> vector<2048x64xf32>
    %swap3A_19 = arith.constant 0 : index
    %swap3A_20 = arith.constant 0 : index
    %swap3A_21 = vector.load %arg4[%swap3A_19, %swap3A_20] : memref<2048x128xf32, #tpu.memory_space<vmem>>, vector<2048x64xf32>
    tpu.vector_store %arg4[%swap3A_19, %swap3A_20], %transpose3A {strides = array<i32>} : memref<2048x128xf32, #tpu.memory_space<vmem>>, vector<2048x64xf32>,
    %broadcast_in_dim3A_22 = arith.constant 0.000000e+00 : f32
    %broadcast_in_dim3A_23 = vector.broadcast %broadcast_in_dim3A_22 : f32 to vector<2048x64xf32>
    %swap3A_24 = arith.constant 0 : index
    %swap3A_25 = arith.constant 64 : index
    %swap3A_26 = vector.load %arg4[%swap3A_24, %swap3A_25] : memref<2048x128xf32, #tpu.memory_space<vmem>>, vector<2048x64xf32>
    tpu.vector_store %arg4[%swap3A_24, %swap3A_25], %broadcast_in_dim3A_23 {strides = array<i32>} : memref<2048x128xf32, #tpu.memory_space<vmem>>, vector<2048x64xf32>,
    return
  }
  func.func @transform_0(%arg0: i32) -> (i32, i32, i32) {
    %c0_i32 = arith.constant 0 : i32
    %c0_i32_0 = arith.constant 0 : i32
    %c0_i32_1 = arith.constant 0 : i32
    return %arg0, %c0_i32, %c0_i32_0 : i32, i32, i32
  }
  func.func @transform_1(%arg0: i32) -> (i32, i32) {
    %c0_i32 = arith.constant 0 : i32
    %c0_i32_0 = arith.constant 0 : i32
    %c0_i32_1 = arith.constant 0 : i32
    return %c0_i32, %c0_i32_0 : i32, i32
  }
  func.func @transform_2(%arg0: i32) -> (i32, i32) {
    %c0_i32 = arith.constant 0 : i32
    %c0_i32_0 = arith.constant 0 : i32
    %c0_i32_1 = arith.constant 0 : i32
    return %c0_i32, %c0_i32_0 : i32, i32
  }
  func.func @transform_3(%arg0: i32) -> (i32, i32) {
    %c0_i32 = arith.constant 0 : i32
    %c0_i32_0 = arith.constant 0 : i32
    return %arg0, %c0_i32 : i32, i32
  }
  func.func @transform_4(%arg0: i32) -> (i32, i32, i32) {
    %c0_i32 = arith.constant 0 : i32
    %c0_i32_0 = arith.constant 0 : i32
    %c0_i32_1 = arith.constant 0 : i32
    return %arg0, %c0_i32, %c0_i32_0 : i32, i32, i32
  }
}

module attributes {stable_mosaic.version = 14 : i64} {
  func.func @_model_body(%arg0: i32, %arg1: memref<2056x128xf32, #tpu.memory_space<vmem>>, %arg2: memref<1x1x2048xi32, #tpu.memory_space<vmem>>, %arg3: memref<320x256xf32, #tpu.memory_space<vmem>>, %arg4: memref<1x256xf32, #tpu.memory_space<vmem>>, %arg5: memref<16x256xf32, #tpu.memory_space<vmem>>, %arg6: memref<1x128xf32, #tpu.memory_space<vmem>>, %arg7: memref<1x1x128xf32, #tpu.memory_space<vmem>>) attributes {dimension_semantics = [#tpu.dimension_semantics<arbitrary>], iteration_bounds = array<i64: 16>, scalar_prefetch = 0 : i64, scratch_operands = 0 : i64, tpu.core_type = #tpu.core_type<tc>, window_params = [{transform_indices = @transform_0, window_bounds = array<i64: 2056, 128>}, {transform_indices = @transform_1, window_bounds = array<i64: 1, 1, 2048>}, {pipeline_mode = #tpu.pipeline_mode<synchronous>, transform_indices = @transform_2, window_bounds = array<i64: 320, 256>}, {pipeline_mode = #tpu.pipeline_mode<synchronous>, transform_indices = @transform_3, window_bounds = array<i64: 1, 256>}, {pipeline_mode = #tpu.pipeline_mode<synchronous>, transform_indices = @transform_4, window_bounds = array<i64: 16, 256>}, {pipeline_mode = #tpu.pipeline_mode<synchronous>, transform_indices = @transform_5, window_bounds = array<i64: 1, 128>}, {transform_indices = @transform_6, window_bounds = array<i64: 1, 1, 128>}]} {
    %get3A = arith.constant 0 : index
    %get3A_0 = arith.constant 0 : index
    %get3A_1 = vector.load %arg1[%get3A, %get3A_0] : memref<2056x128xf32, #tpu.memory_space<vmem>>, vector<2048x64xf32>
    %get3A_2 = arith.constant 0 : index
    %get3A_3 = arith.constant 0 : index
    %get3A_4 = arith.constant 0 : index
    %get3A_5 = vector.load %arg2[%get3A_2, %get3A_3, %get3A_4] : memref<1x1x2048xi32, #tpu.memory_space<vmem>>, vector<1x1x2048xi32>
    %get3A_6 = vector.shape_cast %get3A_5 : vector<1x1x2048xi32> to vector<2048xi32>
    %reduce_sum3A = vector.shape_cast %get3A_6 : vector<2048xi32> to vector<1x2048xi32>
    %reduce_sum3A_7 = arith.constant dense<0> : vector<1xi32>
    %reduce_sum3A_8 = vector.multi_reduction <add>, %reduce_sum3A, %reduce_sum3A_7 [1] : vector<1x2048xi32> to vector<1xi32>
    %reduce_sum3A_9 = vector.shape_cast %reduce_sum3A_8 : vector<1xi32> to vector<1x1xi32>
    %reduce_sum3A_10 = vector.extract %reduce_sum3A_9[0, 0] : i32 from vector<1x1xi32>
    %iota3A = tpu.iota {dimensions = array<i32: 0>} : vector<2048x1xi32>
    %lt3A = vector.broadcast %reduce_sum3A_10 : i32 to vector<2048x1xi32>
    %lt3A_11 = arith.cmpi slt, %iota3A, %lt3A : vector<2048x1xi32>
    %jit3A = arith.constant 0.000000e+00 : f32
    %broadcast_in_dim3A = vector.shape_cast %lt3A_11 : vector<2048x1xi1> to vector<2048x1xi1>
    %broadcast_in_dim3A_12 = vector.broadcast %broadcast_in_dim3A : vector<2048x1xi1> to vector<2048x64xi1>
    %broadcast_in_dim3A_13 = vector.broadcast %jit3A : f32 to vector<2048x64xf32>
    %select_n3A = arith.select %broadcast_in_dim3A_12, %get3A_1, %broadcast_in_dim3A_13 : vector<2048x64xi1>, vector<2048x64xf32>
    %convert_element_type3A = arith.truncf %select_n3A : vector<2048x64xf32> to vector<2048x64xbf16>
    %broadcast_in_dim3A_14 = arith.constant 0.000000e+00 : bf16
    %broadcast_in_dim3A_15 = vector.broadcast %broadcast_in_dim3A_14 : bf16 to vector<2x64xbf16>
    %slice3A = vector.extract_strided_slice %convert_element_type3A {offsets = [0, 0], sizes = [2046, 64], strides = [1, 1]} : vector<2048x64xbf16> to vector<2046x64xbf16>
    %concatenate3A = tpu.concatenate %broadcast_in_dim3A_15, %slice3A in 0 : vector<2x64xbf16>, vector<2046x64xbf16> -> vector<2048x64xbf16>
    %broadcast_in_dim3A_16 = arith.constant 0.000000e+00 : bf16
    %broadcast_in_dim3A_17 = vector.broadcast %broadcast_in_dim3A_16 : bf16 to vector<1x64xbf16>
    %slice3A_18 = vector.extract_strided_slice %convert_element_type3A {offsets = [0, 0], sizes = [2047, 64], strides = [1, 1]} : vector<2048x64xbf16> to vector<2047x64xbf16>
    %concatenate3A_19 = tpu.concatenate %broadcast_in_dim3A_17, %slice3A_18 in 0 : vector<1x64xbf16>, vector<2047x64xbf16> -> vector<2048x64xbf16>
    %broadcast_in_dim3A_20 = arith.constant 0.000000e+00 : bf16
    %broadcast_in_dim3A_21 = vector.broadcast %broadcast_in_dim3A_20 : bf16 to vector<1x64xbf16>
    %slice3A_22 = vector.extract_strided_slice %convert_element_type3A {offsets = [1, 0], sizes = [2047, 64], strides = [1, 1]} : vector<2048x64xbf16> to vector<2047x64xbf16>
    %concatenate3A_23 = tpu.concatenate %slice3A_22, %broadcast_in_dim3A_21 in 0 : vector<2047x64xbf16>, vector<1x64xbf16> -> vector<2048x64xbf16>
    %broadcast_in_dim3A_24 = arith.constant 0.000000e+00 : bf16
    %broadcast_in_dim3A_25 = vector.broadcast %broadcast_in_dim3A_24 : bf16 to vector<2x64xbf16>
    %slice3A_26 = vector.extract_strided_slice %convert_element_type3A {offsets = [2, 0], sizes = [2046, 64], strides = [1, 1]} : vector<2048x64xbf16> to vector<2046x64xbf16>
    %concatenate3A_27 = tpu.concatenate %slice3A_26, %broadcast_in_dim3A_25 in 0 : vector<2046x64xbf16>, vector<2x64xbf16> -> vector<2048x64xbf16>
    %concatenate3A_28 = tpu.concatenate %concatenate3A, %concatenate3A_19, %convert_element_type3A, %concatenate3A_23, %concatenate3A_27 in 1 : vector<2048x64xbf16>, vector<2048x64xbf16>, vector<2048x64xbf16>, vector<2048x64xbf16>, vector<2048x64xbf16> -> vector<2048x320xbf16>
    %get3A_29 = arith.constant 0 : index
    %get3A_30 = arith.constant 0 : index
    %get3A_31 = vector.load %arg3[%get3A_29, %get3A_30] : memref<320x256xf32, #tpu.memory_space<vmem>>, vector<320x256xf32>
    %convert_element_type3A_32 = arith.truncf %get3A_31 : vector<320x256xf32> to vector<320x256xbf16>
    %dot_general3A = arith.constant dense<0.000000e+00> : vector<2048x256xf32>
    %dot_general3A_33 = tpu.matmul %concatenate3A_28, %convert_element_type3A_32, %dot_general3A {dimension_numbers = #tpu.dot_dimension_numbers<[1], [0], [0], [1], [0, 0, 1, 1], [], []>, transpose_lhs_hint = false} : vector<2048x320xbf16>, vector<320x256xbf16>, vector<2048x256xf32> -> vector<2048x256xf32>
    %get3A_34 = arith.constant 0 : index
    %get3A_35 = arith.constant 0 : index
    %get3A_36 = vector.load %arg4[%get3A_34, %get3A_35] : memref<1x256xf32, #tpu.memory_space<vmem>>, vector<1x256xf32>
    %add3A = vector.broadcast %get3A_36 : vector<1x256xf32> to vector<2048x256xf32>
    %add3A_37 = arith.addf %dot_general3A_33, %add3A : vector<2048x256xf32>
    %max3A = arith.constant 0.000000e+00 : f32
    %max3A_38 = vector.broadcast %max3A : f32 to vector<2048x256xf32>
    %max3A_39 = arith.maximumf %add3A_37, %max3A_38 : vector<2048x256xf32>
    %get3A_40 = arith.constant 0 : index
    %get3A_41 = arith.constant 0 : index
    %get3A_42 = vector.load %arg5[%get3A_40, %get3A_41] : memref<16x256xf32, #tpu.memory_space<vmem>>, vector<16x256xf32>
    %dot_general3A_43 = arith.constant dense<0.000000e+00> : vector<16x2048xf32>
    %dot_general3A_44 = tpu.matmul %get3A_42, %max3A_39, %dot_general3A_43 {dimension_numbers = #tpu.dot_dimension_numbers<[1], [1], [0], [0], [0, 0, 1, 0], [], []>, transpose_lhs_hint = false} : vector<16x256xf32>, vector<2048x256xf32>, vector<16x2048xf32> -> vector<16x2048xf32>
    %slice3A_45 = vector.extract_strided_slice %dot_general3A_44 {offsets = [0, 0], sizes = [3, 2048], strides = [1, 1]} : vector<16x2048xf32> to vector<3x2048xf32>
    %broadcast_in_dim3A_46 = arith.constant 0.000000e+00 : f32
    %broadcast_in_dim3A_47 = vector.broadcast %broadcast_in_dim3A_46 : f32 to vector<3x2xf32>
    %slice3A_48 = vector.extract_strided_slice %slice3A_45 {offsets = [0, 0], sizes = [3, 2046], strides = [1, 1]} : vector<3x2048xf32> to vector<3x2046xf32>
    %concatenate3A_49 = tpu.concatenate %broadcast_in_dim3A_47, %slice3A_48 in 1 : vector<3x2xf32>, vector<3x2046xf32> -> vector<3x2048xf32>
    %slice3A_50 = vector.extract_strided_slice %dot_general3A_44 {offsets = [3, 0], sizes = [3, 2048], strides = [1, 1]} : vector<16x2048xf32> to vector<3x2048xf32>
    %broadcast_in_dim3A_51 = arith.constant 0.000000e+00 : f32
    %broadcast_in_dim3A_52 = vector.broadcast %broadcast_in_dim3A_51 : f32 to vector<3x1xf32>
    %slice3A_53 = vector.extract_strided_slice %slice3A_50 {offsets = [0, 0], sizes = [3, 2047], strides = [1, 1]} : vector<3x2048xf32> to vector<3x2047xf32>
    %concatenate3A_54 = tpu.concatenate %broadcast_in_dim3A_52, %slice3A_53 in 1 : vector<3x1xf32>, vector<3x2047xf32> -> vector<3x2048xf32>
    %add3A_55 = arith.addf %concatenate3A_49, %concatenate3A_54 : vector<3x2048xf32>
    %slice3A_56 = vector.extract_strided_slice %dot_general3A_44 {offsets = [6, 0], sizes = [3, 2048], strides = [1, 1]} : vector<16x2048xf32> to vector<3x2048xf32>
    %add3A_57 = arith.addf %add3A_55, %slice3A_56 : vector<3x2048xf32>
    %slice3A_58 = vector.extract_strided_slice %dot_general3A_44 {offsets = [9, 0], sizes = [3, 2048], strides = [1, 1]} : vector<16x2048xf32> to vector<3x2048xf32>
    %broadcast_in_dim3A_59 = arith.constant 0.000000e+00 : f32
    %broadcast_in_dim3A_60 = vector.broadcast %broadcast_in_dim3A_59 : f32 to vector<3x1xf32>
    %slice3A_61 = vector.extract_strided_slice %slice3A_58 {offsets = [0, 1], sizes = [3, 2047], strides = [1, 1]} : vector<3x2048xf32> to vector<3x2047xf32>
    %concatenate3A_62 = tpu.concatenate %slice3A_61, %broadcast_in_dim3A_60 in 1 : vector<3x2047xf32>, vector<3x1xf32> -> vector<3x2048xf32>
    %add3A_63 = arith.addf %add3A_57, %concatenate3A_62 : vector<3x2048xf32>
    %slice3A_64 = vector.extract_strided_slice %dot_general3A_44 {offsets = [12, 0], sizes = [3, 2048], strides = [1, 1]} : vector<16x2048xf32> to vector<3x2048xf32>
    %broadcast_in_dim3A_65 = arith.constant 0.000000e+00 : f32
    %broadcast_in_dim3A_66 = vector.broadcast %broadcast_in_dim3A_65 : f32 to vector<3x2xf32>
    %slice3A_67 = vector.extract_strided_slice %slice3A_64 {offsets = [0, 2], sizes = [3, 2046], strides = [1, 1]} : vector<3x2048xf32> to vector<3x2046xf32>
    %concatenate3A_68 = tpu.concatenate %slice3A_67, %broadcast_in_dim3A_66 in 1 : vector<3x2046xf32>, vector<3x2xf32> -> vector<3x2048xf32>
    %add3A_69 = arith.addf %add3A_63, %concatenate3A_68 : vector<3x2048xf32>
    %get3A_70 = arith.constant 0 : index
    %get3A_71 = arith.constant 0 : index
    %get3A_72 = vector.load %arg6[%get3A_70, %get3A_71] : memref<1x128xf32, #tpu.memory_space<vmem>>, vector<1x3xf32>
    %get3A_73 = vector.shape_cast %get3A_72 : vector<1x3xf32> to vector<3xf32>
    %broadcast_in_dim3A_74 = vector.shape_cast %get3A_73 : vector<3xf32> to vector<3x1xf32>
    %add3A_75 = vector.broadcast %broadcast_in_dim3A_74 : vector<3x1xf32> to vector<3x2048xf32>
    %add3A_76 = arith.addf %add3A_69, %add3A_75 : vector<3x2048xf32>
    %exp3A = math.exp %add3A_76 : vector<3x2048xf32>
    %slice3A_77 = vector.extract_strided_slice %exp3A {offsets = [0, 0], sizes = [1, 2048], strides = [1, 1]} : vector<3x2048xf32> to vector<1x2048xf32>
    %slice3A_78 = vector.extract_strided_slice %exp3A {offsets = [1, 0], sizes = [1, 2048], strides = [1, 1]} : vector<3x2048xf32> to vector<1x2048xf32>
    %add3A_79 = arith.addf %slice3A_77, %slice3A_78 : vector<1x2048xf32>
    %slice3A_80 = vector.extract_strided_slice %exp3A {offsets = [2, 0], sizes = [1, 2048], strides = [1, 1]} : vector<3x2048xf32> to vector<1x2048xf32>
    %add3A_81 = arith.addf %add3A_79, %slice3A_80 : vector<1x2048xf32>
    %slice3A_82 = vector.extract_strided_slice %select_n3A {offsets = [0, 48], sizes = [2048, 8], strides = [1, 1]} : vector<2048x64xf32> to vector<2048x8xf32>
    %transpose3A = tpu.transpose %slice3A_82, [1, 0] : vector<2048x8xf32> -> vector<8x2048xf32>
    %slice3A_83 = vector.extract_strided_slice %transpose3A {offsets = [2, 0], sizes = [1, 2048], strides = [1, 1]} : vector<8x2048xf32> to vector<1x2048xf32>
    %slice3A_84 = vector.extract_strided_slice %exp3A {offsets = [0, 0], sizes = [1, 2048], strides = [1, 1]} : vector<3x2048xf32> to vector<1x2048xf32>
    %mul3A = arith.mulf %slice3A_83, %slice3A_84 : vector<1x2048xf32>
    %slice3A_85 = vector.extract_strided_slice %transpose3A {offsets = [3, 0], sizes = [1, 2048], strides = [1, 1]} : vector<8x2048xf32> to vector<1x2048xf32>
    %slice3A_86 = vector.extract_strided_slice %exp3A {offsets = [1, 0], sizes = [1, 2048], strides = [1, 1]} : vector<3x2048xf32> to vector<1x2048xf32>
    %mul3A_87 = arith.mulf %slice3A_85, %slice3A_86 : vector<1x2048xf32>
    %add3A_88 = arith.addf %mul3A, %mul3A_87 : vector<1x2048xf32>
    %slice3A_89 = vector.extract_strided_slice %transpose3A {offsets = [4, 0], sizes = [1, 2048], strides = [1, 1]} : vector<8x2048xf32> to vector<1x2048xf32>
    %slice3A_90 = vector.extract_strided_slice %exp3A {offsets = [2, 0], sizes = [1, 2048], strides = [1, 1]} : vector<3x2048xf32> to vector<1x2048xf32>
    %mul3A_91 = arith.mulf %slice3A_89, %slice3A_90 : vector<1x2048xf32>
    %add3A_92 = arith.addf %add3A_88, %mul3A_91 : vector<1x2048xf32>
    %div3A = arith.divf %add3A_92, %add3A_81 : vector<1x2048xf32>
    %reduce_sum3A_93 = vector.shape_cast %div3A : vector<1x2048xf32> to vector<1x1x2048xf32>
    %reduce_sum3A_94 = arith.constant dense<0.000000e+00> : vector<1xf32>
    %reduce_sum3A_95 = vector.multi_reduction <add>, %reduce_sum3A_93, %reduce_sum3A_94 [1, 2] : vector<1x1x2048xf32> to vector<1xf32>
    %reduce_sum3A_96 = vector.shape_cast %reduce_sum3A_95 : vector<1xf32> to vector<1x1x1xf32>
    %reduce_sum3A_97 = vector.extract %reduce_sum3A_96[0, 0, 0] : f32 from vector<1x1x1xf32>
    %convert_element_type3A_98 = arith.sitofp %reduce_sum3A_10 : i32 to f32
    %div3A_99 = arith.divf %reduce_sum3A_97, %convert_element_type3A_98 : f32
    %log3A = math.log %div3A_99 : f32
    %broadcast_in_dim3A_100 = vector.broadcast %log3A : f32 to vector<128xf32>
    %swap3A = arith.constant 0 : index
    %swap3A_101 = arith.constant 0 : index
    %swap3A_102 = arith.constant 0 : index
    %swap3A_103 = vector.load %arg7[%swap3A, %swap3A_101, %swap3A_102] : memref<1x1x128xf32, #tpu.memory_space<vmem>>, vector<1x1x128xf32>
    %swap3A_104 = vector.shape_cast %swap3A_103 : vector<1x1x128xf32> to vector<128xf32>
    %swap3A_105 = vector.shape_cast %broadcast_in_dim3A_100 : vector<128xf32> to vector<1x1x128xf32>
    tpu.vector_store %arg7[%swap3A, %swap3A_101, %swap3A_102], %swap3A_105 {strides = array<i32>} : memref<1x1x128xf32, #tpu.memory_space<vmem>>, vector<1x1x128xf32>,
    return
  }
  func.func @transform_0(%arg0: i32) -> (i32, i32) {
    %c0_i32 = arith.constant 0 : i32
    %c0_i32_0 = arith.constant 0 : i32
    return %arg0, %c0_i32 : i32, i32
  }
  func.func @transform_1(%arg0: i32) -> (i32, i32, i32) {
    %c0_i32 = arith.constant 0 : i32
    %c0_i32_0 = arith.constant 0 : i32
    %c0_i32_1 = arith.constant 0 : i32
    return %arg0, %c0_i32, %c0_i32_0 : i32, i32, i32
  }
  func.func @transform_2(%arg0: i32) -> (i32, i32) {
    %c0_i32 = arith.constant 0 : i32
    %c0_i32_0 = arith.constant 0 : i32
    %c0_i32_1 = arith.constant 0 : i32
    return %c0_i32, %c0_i32_0 : i32, i32
  }
  func.func @transform_3(%arg0: i32) -> (i32, i32) {
    %c0_i32 = arith.constant 0 : i32
    %c0_i32_0 = arith.constant 0 : i32
    %c0_i32_1 = arith.constant 0 : i32
    return %c0_i32, %c0_i32_0 : i32, i32
  }
  func.func @transform_4(%arg0: i32) -> (i32, i32) {
    %c0_i32 = arith.constant 0 : i32
    %c0_i32_0 = arith.constant 0 : i32
    %c0_i32_1 = arith.constant 0 : i32
    return %c0_i32, %c0_i32_0 : i32, i32
  }
  func.func @transform_5(%arg0: i32) -> (i32, i32) {
    %c0_i32 = arith.constant 0 : i32
    %c0_i32_0 = arith.constant 0 : i32
    %c0_i32_1 = arith.constant 0 : i32
    return %c0_i32, %c0_i32_0 : i32, i32
  }
  func.func @transform_6(%arg0: i32) -> (i32, i32, i32) {
    %c0_i32 = arith.constant 0 : i32
    %c0_i32_0 = arith.constant 0 : i32
    %c0_i32_1 = arith.constant 0 : i32
    return %arg0, %c0_i32, %c0_i32_0 : i32, i32, i32
  }
}

</mosaic_0001>

<sc_bundles>
// kernel: kernel.5.cloned.1.call-start
scs
__scs_entry_jumppad:
0x0: {  	(pc) =	sbr.rel $0x88, $3  }
0x1: {  	(tag) =	ssettag $0x0;
	lr =	simm.s32 $0x1  }
0x2: {  	[smem:$0x3F9A] =	sst lr;
	_ =	strace $0xD0000000  }
0x3: {  	_ = 	snop  }
0x4: {  	_ = 	snop  }
0x5: {  	_ = 	snop  }
0x6: {  	_ = 	snop  }
0x7: {  	_ = 	snop  }
__scs_overlays_trampoline_lowered:
0x8: {  	[smem:$0x3FA9] =	sst s0  }
0x9: {  	[smem:$0x3FAA] =	sst s1  }
0xa: {  	[smem:$0x3FAB] =	sst s2  }
0xb: {  	[smem:$0x3FAC] =	sst s3  }
0xc: {  	[smem:$0x3FAD] =	sst s4  }
0xd: {  	[smem:$0x3FAE] =	sst s5  }
0xe: {  	[smem:$0x3FAF] =	sst s6  }
0xf: {  	[smem:$0x3FB0] =	sst s7  }
0x10: {  	[smem:$0x3FB1] =	sst s8  }
0x11: {  	[smem:$0x3FB2] =	sst s9;
	s0 =	simm.s32 @!p0 $0x0  }
0x12: {  	s1 =	sld [smem:$0x3F98];
	s0 =	simm.s32 @p0 $0x1  }
0x13: {  	[smem:$0x3FB3] =	sst s0;
	s0 =	simm.s32 @!p1 $0x0  }
0x14: {  	s2 =	sld [smem:$0x3F97];
	s0 =	simm.s32 @p1 $0x1  }
0x15: {  	[smem:$0x3FB4] =	sst s0;
	s0 =	simm.s32 @!p2 $0x0  }
0x16: {  	s3 =	sld [smem:$0x3FDB];
	s0 =	simm.s32 @p2 $0x1  }
0x17: {  	s4 =	simm.s32 $0x1BF5;
	[smem:$0x3FB6] =	sst s0  }
0x18: {  	s0 =	sld [smem:$0x3F99];
	_ =	swait.ge [sflag:s4], $0x0  }
0x19: {  	s7 =	sld [smem:$0x3F9A]  }
0x1a: {  	s8 =	sadd.s32 $0xFFFFE003, lr  }
0x1b: {  	s9 =	sadd.s32 $0xFFFFFEF7, lr;
	s5 =	simm.s32 $0xFFFFFFFF;
	p2 =	slt.u32 s8, $0xFFFFF086  }
0x1c: {  	p1 =	slt.u32 s9, $0xF7A;
	s5 =	simm.s32 @!p2 $0x0  }
0x1d: {  	s5 =	simm.s32 @p1 $0x1;
	p0 =	seq.s32 s7, s2  }
0x1e: {  	s7 =	smul.u32 @!p0 $0xF7A, s2;
	p2 =	seq.s32 @!p0 s5, $0x0  }
0x1f: {  	s9 =	smul.u32 $0xF7A, s1;
	s8 =	simm.s32 @!p0 $0x1BF5;
	p2 =	por !p2, p0  }
0x20: {  	[sflag:s8] =	ssyncset.s32 @!p0 $0xFFFFF086;
	s6 =	sadd.s32 @!p0 s3, s7;
	s7 =	simm.s32 @!p0 $0x108  }
0x21: {  	s3 =	sadd.s32 s3, s9;
	s6 =	sadd.s32 @!p0 $0x88, s6;
	s7 =	simm.s32 @p2 $0x1082  }
0x22: {  	[simem:s7], [sflag:s8] =	dma.local @!p0 [hbm:s6], $0xF7A  }
0x23: {  	s9 =	sor.u32 $0xD0000000, s2;
	s6 =	simm.s32 $0x108;
	_ =	swait.ge @!p0 [sflag:s8], $0x0  }
0x24: {  	s3 =	sadd.s32 $0x88, s3;
	s6 =	simm.s32 @!p1 $0x1082;
	[sflag:s4] =	ssyncset.s32 $0xFFFFF086  }
0x25: {  	[simem:s6], [sflag:s4] =	dma.local [hbm:s3], $0xF7A  }
0x26: {  	[smem:$0x3F9A] =	sst s1;
	(tag) =	ssettag s2;
	_ =	strace s9  }
0x27: {  	s1 =	sld [smem:$0x3FAA]  }
0x28: {  	s2 =	sld [smem:$0x3FAB]  }
0x29: {  	s4 =	sld [smem:$0x3FAD]  }
0x2a: {  	p0 =	seq.s32 s5, $0x0;
	s5 =	sld [smem:$0x3FAE]  }
0x2b: {  	s6 =	sld [smem:$0x3FAF]  }
0x2c: {  	s7 =	sld [smem:$0x3FB0]  }
0x2d: {  	s3 =	simm.s32 $0x108;
	s8 =	sld [smem:$0x3FB1]  }
0x2e: {  	s3 =	simm.s32 @!p0 $0x1082;
	s9 =	sld [smem:$0x3FB2]  }
0x2f: {  	lr =	sadd.s32 s0, s3;
	s0 =	sld [smem:$0x3FA9]  }
0x30: {  	s3 =	sld [smem:$0x3FAC]  }
0x31: {  	[smem:$0x3FB5] =	sst s10  }
0x32: {  	s10 =	sld [smem:$0x3FB3];
	_ =	sdelay $0x3  }
0x33: {  	p0 =	seq.s32 s10, $0x1;
	s10 =	sld [smem:$0x3FB5];
	_ =	sdelay $0x3  }
0x34: {  	[smem:$0x3FB5] =	sst s10  }
0x35: {  	s10 =	sld [smem:$0x3FB4];
	_ =	sdelay $0x3  }
0x36: {  	p1 =	seq.s32 s10, $0x1;
	s10 =	sld [smem:$0x3FB5];
	_ =	sdelay $0x3  }
0x37: {  	[smem:$0x3FB5] =	sst s10  }
0x38: {  	s10 =	sld [smem:$0x3FB6]  }
0x39: {  	_ = 	snop;
	(pc) =	sbr.ind lr, $3  }
0x3a: {  	_ = 	snop  }
0x3b: {  	_ = 	snop  }
0x3c: {  	p2 =	seq.s32 s10, $0x1;
	s10 =	sld [smem:$0x3FB5]  }
0x3d: {  	_ =	shalt  }
0x3e: {  	_ =	shalt  }
0x3f: {  	_ =	shalt  }
0x40: {  	_ =	shalt  }
0x41: {  	_ =	shalt  }
0x42: {  	_ =	shalt  }
0x43: {  	_ =	shalt  }
0x44: {  	_ =	shalt  }
0x45: {  	_ =	shalt  }
0x46: {  	_ =	shalt  }
0x47: {  	_ =	shalt  }
0x48: {  	_ =	shalt  }
0x49: {  	_ =	shalt  }
0x4a: {  	_ =	shalt  }
0x4b: {  	_ =	shalt  }
0x4c: {  	_ =	shalt  }
0x4d: {  	_ =	shalt  }
0x4e: {  	_ =	shalt  }
0x4f: {  	_ =	shalt  }
0x50: {  	_ =	shalt  }
0x51: {  	_ =	shalt  }
0x52: {  	_ =	shalt  }
0x53: {  	_ =	shalt  }
0x54: {  	_ =	shalt  }
0x55: {  	_ =	shalt  }
0x56: {  	_ =	shalt  }
0x57: {  	_ =	shalt  }
0x58: {  	_ =	shalt  }
0x59: {  	_ =	shalt  }
0x5a: {  	_ =	shalt  }
0x5b: {  	_ =	shalt  }
0x5c: {  	_ =	shalt  }
0x5d: {  	_ =	shalt  }
0x5e: {  	_ =	shalt  }
0x5f: {  	_ =	shalt  }
0x60: {  	_ =	shalt  }
0x61: {  	_ =	shalt  }
0x62: {  	_ =	shalt  }
0x63: {  	_ =	shalt  }
0x64: {  	_ =	shalt  }
0x65: {  	_ =	shalt  }
0x66: {  	_ =	shalt  }
0x67: {  	_ =	shalt  }
0x68: {  	_ =	shalt  }
0x69: {  	_ =	shalt  }
0x6a: {  	_ =	shalt  }
0x6b: {  	_ =	shalt  }
0x6c: {  	_ =	shalt  }
0x6d: {  	_ =	shalt  }
0x6e: {  	_ =	shalt  }
0x6f: {  	_ =	shalt  }
0x70: {  	_ =	shalt  }
0x71: {  	_ =	shalt  }
0x72: {  	_ =	shalt  }
0x73: {  	_ =	shalt  }
0x74: {  	_ =	shalt  }
0x75: {  	_ =	shalt  }
0x76: {  	_ =	shalt  }
0x77: {  	_ =	shalt  }
0x78: {  	_ =	shalt  }
0x79: {  	_ =	shalt  }
0x7a: {  	_ =	shalt  }
0x7b: {  	_ =	shalt  }
0x7c: {  	_ =	shalt  }
0x7d: {  	_ =	shalt  }
0x7e: {  	_ =	shalt  }
0x7f: {  	_ =	shalt  }
0x80: {  	_ =	shalt  }
0x81: {  	_ =	shalt  }
0x82: {  	_ =	shalt  }
0x83: {  	_ =	shalt  }
0x84: {  	_ =	shalt  }
0x85: {  	_ =	shalt  }
0x86: {  	_ =	shalt  }
0x87: {  	_ =	shalt  }
.Lfunc_end0:
.L_simem_size_0:
called_computation_lowered:
.L_overlay_start_0:
0x88: {  	s2 =	sld [smem:$0x3FD9]  }
0x89: {  	s3 =	sld [smem:$0x3FFE];
	_ =	sdelay $0x1  }
0x8a: {  	s1 =	srdreg.scid  }
0x8b: {  	s0 =	sand.u32 $0x1, s1  }
0x8c: {  	s16 =	sshll.u32 s0, $0xA;
	s2 =	sadd.s32 s3, s2  }
0x8d: {  	s2 =	sadd.s32 s2, s16  }
0x8e: {  	[smem:$0x3FC1] =	sst s2  }
0x8f: {  	_ = 	snop  }
0x90: {  	(tm) =	ssettm $0x1  }
0x91: {  	s17 =	sld [smem:$0x3FFB];
	_ =	sdelay $0x3  }
0x92: {  	_ =	strace s17  }
0x93: {  	s2 =	sld [smem:$0x3FFC];
	_ =	sdelay $0x3  }
0x94: {  	_ =	strace s2  }
0x95: {  	s2 =	sld [smem:$0x3FFD];
	_ =	sdelay $0x3  }
0x96: {  	_ =	strace s2  }
0x97: {  	_ =	strace $0x8FFFFFFF  }
0x98: {  	s18 =	sld [smem:$0x3FDB];
	_ =	sdelay $0x1  }
0x99: {  	s19 =	simm.s32 $_scs_section_size  }
0x9a: {  	s4 =	simm.s32 $_size__tile_overlayer_lowered;
	s5 =	simm.s32 $_tile_overlayer_lowered  }
0x9b: {  	s22 =	simm.s32 $0x1BFF;
	s21 =	sshll.u32 s5, $0x1;
	s2 =	sadd.s32 s19, s18  }
0x9c: {  	s6 =	simm.s32 $0x0;
	s20 =	sshll.u32 s4, $0x1;
	s4 =	sadd.s32 s21, s2  }
0x9d: {  	[timem:s6], [sflag:s22] =	dma.local [hbm:s4], s20  }
0x9e: {  	_ =	swait.ge [sflag:s22], s20  }
0x9f: {  	s3 =	ssub.s32 $0x0, s20;
	[sflag:s22] =	ssyncset.done $0x0  }
0xa0: {  	[sflag:s22] =	ssyncadd.s32 s3;
	_ =	sdelay $0x1  }
0xa1: {  	s23 =	simm.s32 $0x1B8B  }
0xa2: {  	_ =	swait.ge [sflag:s23], $0x1  }
0xa3: {  	[sflag:s23] =	ssyncset.done $0x0  }
0xa4: {  	s25 =	simm.s32 $0x1B8E;
	s24 =	sld [smem:$0x3FFE];
	[sflag:s23] =	ssyncadd.s32 $0xFFFFFFFF  }
0xa5: {  	s26 =	simm.s32 $execute0_lowered;
	[smem:$0x3FD2] =	sst s25  }
0xa6: {  	s4 =	sshll.u32 s26, $0x1;
	_ =	strace $0x80000046;
	[dreg:$0x1] =	wrdreg $0xFFFFFFFF  }
0xa7: {  	s28 =	simm.s32 $_size_execute0_lowered;
	s2 =	sadd.s32 s2, s4;
	[dreg:$0x0] =	wrdreg $0x0  }
0xa8: {  	s4 =	sshll.u32 s28, $0x1;
	[dreg:$0x2] =	wrdreg s2  }
0xa9: {  	[dreg:$0x3] =	wrdreg s4  }
0xaa: {  	[dreg:$0x4] =	wrdreg $0xC0  }
0xab: {  	_ =	task [dreg:s6], $0x5FFFF  }
0xac: {  	[dreg:$0x1] =	wrdreg $0xFFFFFFFF  }
0xad: {  	[dreg:$0x0] =	wrdreg $0x60  }
0xae: {  	[dreg:$0x2] =	wrdreg s24  }
0xaf: {  	[dreg:$0x3] =	wrdreg $0x9  }
0xb0: {  	_ =	task.clear_ibuf [dreg:s6], $0x4FFFF;
	_ =	strace $0x90000046  }
0xb1: {  	s29 =	simm.s32 $0x9;
	_ =	strace $0x80000048  }
0xb2: {  	_ =	swait.ge [sflag:s29], $0x1  }
0xb3: {  	[sflag:s29] =	ssyncadd.s32 $0xFFFFFFFF  }
0xb4: {  	_ =	strace $0x90000048  }
0xb5: {  	_ =	sfence  }
0xb6: {  	s30 =	sld [smem:$0x0];
	_ =	sdelay $0x2  }
0xb7: {  	s31 =	sshll.u32 s1, $0xD;
	s1 =	sshrl.u32 s1, $0x2  }
0xb8: {  	s3 =	sand.u32 $0x4000, s31;
	s1 =	sadd.s32 s1, s30  }
0xb9: {  	s0 =	sor.u32 s3, s0;
	s1 =	sshll.u32 s1, $0x11  }
0xba: {  	s0 =	sor.u32 s1, s0  }
0xbb: {  	s0 =	sadd.s32 $0x8F2B, s0  }
0xbc: {  	[sflag:s0] =	ssyncadd.remote.s32 $0x1  }
0xbd: {  	_ =	sfence.sel $0xFFFF  }
0xbe: {  	[dreg:$0x0] =	wrdreg $0xFFFFFFFF;
	(pc) =	sbr.abs _section_cstart, $3  }
0xbf: {  	[dreg:$0x1] =	wrdreg $0xFFFFFFFF  }
0xc0: {  	_ =	task.clear_ibuf [dreg:s6], $0x2FFFF;
	_ =	strace $0x9FFFFFFF  }
0xc1: {  	(tm) =	ssettm $0x7FFFFFFF  }
tec
execute0_lowered:
.L_overlay_start_1:
0x0: {  	(tag) =	ssettag $0x1  }
0x1: {  	s0 =	srdreg.scid;
	s2 =	stileid.u32  }
0x2: {  	s5 =	rddreg [dreg:$0x0];
	s3 =	simm.s32 $0x0;
	s23 =	simm.s32 $0x5  }
0x3: {  	s24 =	simm.s32 $0x6;
	s25 =	simm.s32 $0x80;
	s0 =	sand.u32 $0x1, s0  }
0x4: {  	s28 =	simm.s32 $0x2;
	s30 =	simm.s32 $0x3;
	s1 =	sshll.u32 s0, $0x4  }
0x5: {  	s26 =	simm.s32 $0x7;
	s4 =	sand.u32 $0x1, s2;
	s1 =	sor.u32 s2, s1  }
0x6: {  	s31 =	simm.s32 $0x8;
	p1 =	seq.s32 s4, $0x1;
	p0 =	seq.s32 s1, $0x0  }
0x7: {  	s29 =	simm.s32 $0x0;
	[smem:$0x7FF] =	sst s3;
	p0 =	por !p0, !p1  }
0x8: {  	s7 =	sadd.s32 $0x81600, s5;
	s2 =	simm.s32 $0x1;
	p0 =	por !p0, !p0  }
0x9: {  	[dreg:$0x2] =	wrdreg s4;
	s1 =	sshrl.u32 s1, $0x1;
	s2 =	simm.s32 @!p0 $0x0  }
0xa: {  	s4 =	sshll.u32 s4, $0xA;
	s0 =	ssub.s32 $0x2, s0;
	s1 =	ssub.s32 s1, s2  }
0xb: {  	_ =	strace $0x80000047;
	s9 =	sshrl.u32 s0, $0x1;
	s2 =	sshll.u32 s1, $0xB  }
0xc: {  	s0 =	ssub.s32 s0, s9;
	s9 =	smul.u32 $0x808, s1;
	s6 =	sor.u32 s4, s2  }
0xd: {  	s2 =	sshrl.u32 s2, $0x3;
	s4 =	sshll.u32 s6, $0x4;
	s20 =	sshrl.u32 s6, $0x3  }
0xe: {  	s21 =	sadd.s32 s7, s2;
	s22 =	sadd.s32 $0x800, s9;
	s2 =	simm.s32 $0x4  }
0xf: {  	s8 =	sand.u32 $0x1FFFC000, s4;
	s4 =	simm.s32 $0x1;
	s1 =	sadd.s32 s7, s20  }
0x10: {  	[dreg:$0x8] =	wrdreg s21;
	s20 =	simm.s32 $0x8C00;
	s8 =	sadd.s32 s8, s5  }
0x11: {  	s21 =	simm.s32 $0xCC00;
	[dreg:$0x7] =	wrdreg s1;
	s16 =	sadd.s32 $0x1600, s8  }
0x12: {  	s5 =	sadd.s32 $0x82600, s5;
	s17 =	sadd.s32 $0x1E00, s8;
	[dreg:$0x3] =	wrdreg s16  }
0x13: {  	s18 =	sadd.s32 $0x2600, s8;
	s19 =	sadd.s32 $0x2E00, s8;
	[dreg:$0x4] =	wrdreg s17  }
0x14: {  	s13 =	sadd.s32 $0x3600, s8;
	s14 =	sadd.s32 $0x3E00, s8;
	[dreg:$0x5] =	wrdreg s18  }
0x15: {  	s15 =	sadd.s32 $0x4600, s8;
	[dreg:$0x6] =	wrdreg s19;
	s16 =	sadd.s32 $0x4E00, s8  }
0x16: {  	v0 =	vmov s22;
	s17 =	smax.u32 s0, $0x1;
	s18 =	simm.s32 $0xC00;
	s19 =	simm.s32 $0x4C00  }
.LBB2_1:
0x17: {  	s0 =	rddreg [dreg:$0x3]  }
0x18: {  	[tilespmem:s18], [sflag:$0x1] =	stream.linear.gather [hbm4b:s0+s3], $0x4000, $0x38;
	[tilespmem:$0x10C00] =	vst v63  }
0x19: {  	s7 =	rddreg [dreg:$0x4]  }
0x1a: {  	[tilespmem:s19], [sflag:$0x2] =	stream.linear.gather [hbm4b:s7+s3], $0x4000, $0x38;
	[tilespmem:$0x10C00] =	vst v63  }
0x1b: {  	s8 =	rddreg [dreg:$0x5]  }
0x1c: {  	[tilespmem:s20], [sflag:$0x3] =	stream.linear.gather [hbm4b:s8+s3], $0x4000, $0x38;
	[tilespmem:$0x10C00] =	vst v63  }
0x1d: {  	s10 =	rddreg [dreg:$0x6]  }
0x1e: {  	[tilespmem:s21], [sflag:$0x4] =	stream.linear.gather [hbm4b:s10+s3], $0x4000, $0x38;
	[tilespmem:$0x10C00] =	vst v63  }
0x1f: {  	s11 =	rddreg [dreg:$0x7]  }
0x20: {  	[tilespmem:s3], [sflag:$0x5] =	stream.linear.gather [hbm4b:s11+s3], $0x400, $0x38;
	[tilespmem:$0x10C00] =	vst v63  }
0x21: {  	s12 =	rddreg [dreg:$0x8];
	s1 =	simm.s32 $0x400  }
0x22: {  	[tilespmem:s1], [sflag:$0x6] =	stream.linear.gather [hbm4b:s12+s3], $0x400, $0x38;
	[tilespmem:$0x10C00] =	vst v63  }
0x23: {  	_ =	swait.ge [sflag:s23], $0x400  }
0x24: {  	[sflag:s23] =	ssyncset.done $0x0  }
0x25: {  	[sflag:s23] =	ssyncadd.s32 $0xFFFFFC00  }
0x26: {  	_ =	swait.ge [sflag:s24], $0x400  }
0x27: {  	[sflag:s24] =	ssyncset.done $0x0  }
0x28: {  	s22 =	simm.s32 $0x0;
	[sflag:s24] =	ssyncadd.s32 $0xFFFFFC00  }
0x29: {  	v1 =	vimm.s32 $0x0;
	s0 =	simm.s32 $0x40;
	v2 =	vld [tilespmem:s22+$0x400]  }
.LBB2_2:
0x2a: {  	p0 =	sne.s32 s0, $0xFC0  }
.Ltmp0:
0x2b: {  	_ = 	snop;
	(pc) =	sbr.rel @p0 .LBB2_2-.Ltmp0, $3  }
0x2c: {  	_ =	sdelay $0x1  }
0x2d: {  	s1 =	sshra.s32 s0, $0x2;
	s0 =	sadd.s32 $0x40, s0;
	v1 =	vadd.s32 v1, v2  }
0x2e: {  	v2 =	vld [tilespmem:s1+$0x400]  }
0x2f: {  	s0 =	simm.s32 $0x0  }
0x30: {  	v3 =	vld [tilespmem:s0+$0x0];
	_ =	sdelay $0x1  }
0x31: {  	v4 =	vld [tilespmem:s0+$0x10]  }
0x32: {  	v1 =	vadd.s32 v1, v2  }
0x33: {  	(xrf0) =	vadd.scan.msk.s32 $0xffff, v1;
	v1 =	vld [tilespmem:s0+$0x20]  }
0x34: {  	(xrf0) =	vadd.scan.msk.s32 $0xffff, v3;
	_ =	sdelay $0x1  }
0x35: {  	v2 =	vld [tilespmem:s0+$0x30];
	(xrf0) =	vadd.scan.msk.s32 $0xffff, v4;
	_ =	sdelay $0x1  }
0x36: {  	(xrf0) =	vadd.scan.msk.s32 $0xffff, v1  }
0x37: {  	v5, _, _ =	vpop (xrf0)  }
0x38: {  	v6, _, _ =	vpop (xrf0)  }
0x39: {  	(xrf0) =	vadd.scan.msk.s32 $0xffff, v2;
	v7 =	vxor.u32 $0x80000000, v6  }
0x3a: {  	v8, _, _ =	vpop (xrf0);
	(xrf0) =	vmax.scan.msk.u32 $0xffff, v7  }
0x3b: {  	v52 =	vxor.u32 $0x80000000, v8  }
0x3c: {  	(xrf0) =	vmax.scan.msk.u32 $0xffff, v52;
	v9, _, _ =	vpop (xrf0)  }
0x3d: {  	v53 =	vxor.u32 $0x80000000, v9  }
0x3e: {  	(xrf0) =	vmax.scan.msk.u32 $0xffff, v53  }
0x3f: {  	(v2sf) =	vpush v5, $0xF;
	v54, _, _ =	vpop (xrf0)  }
0x40: {  	v10, _, _ =	vpop (xrf0)  }
0x41: {  	v55 =	vxor.u32 $0x80000000, v54;
	(v2sf) =	vpush v10, $0xF  }
0x42: {  	(xrf0) =	vmax.scan.msk.u32 $0xffff, v55;
	v56, _, _ =	vpop (xrf0)  }
0x43: {  	(v2sf) =	vpush v56, $0xF  }
0x44: {  	v57, _, _ =	vpop (xrf0)  }
0x45: {  	(v2sf) =	vpush v57, $0xF;
	_ =	sdelay $0x2  }
0x46: {  	v58, _, _ =	vpop (xrf0)  }
0x47: {  	(v2sf) =	vpush v58, $0xF;
	_ =	sdelay $0x4  }
0x48: {  	s1 =	rddreg [dreg:$0x2];
	s10 =	spop (v2sf)  }
0x49: {  	s0 =	smul.u32 s1, s10  }
0x4a: {  	s11 =	spop (v2sf)  }
0x4b: {  	s1 =	sadd.s32 s11, s0  }
0x4c: {  	s6 =	spop (v2sf);
	s1 =	sadd.s32 $0x80000000, s1  }
0x4d: {  	s0 =	sadd.s32 s9, s0;
	s12 =	sadd.s32 s6, s1  }
0x4e: {  	s7 =	simm.s32 $0x0;
	v59 =	vmov s0;
	s0 =	sadd.s32 $0x80000000, s12;
	s22 =	spop (v2sf)  }
0x4f: {  	s7 =	sand.u32 $0xE00, s7;
	vm0 =	veq.s32 v3, $0x0;
	vm1 =	veq.s32 v4, $0x0;
	s1 =	sadd.s32 s9, s1;
	s8 =	sadd.s32 s22, s0  }
0x50: {  	vm15 =	veq.s32 v2, $0x0;
	s10 =	simm.s32 $0x0;
	v5 =	vadd.s32 $0xFFFFFFFF, v59;
	v60 =	vmov s1;
	s0 =	sadd.s32 s9, s0;
	s1 =	sadd.s32 $0x80000000, s8  }
0x51: {  	s7 =	sshrl.u32 s7, $0x2;
	s6 =	sand.u32 $0x40, s10;
	v5 =	vbroadcast v5, $0x0;
	v3 =	vadd.s32 $0xFFFFFFFF, v60;
	v61 =	vmov s0;
	s8 =	sadd.s32 s9, s1  }
0x52: {  	s10 =	simm.s32 $0x30;
	s12 =	simm.s32 $0x10;
	s11 =	spop (v2sf);
	v3 =	vbroadcast v3, $0x0;
	v62 =	vadd.s32 $0xFFFFFFFF, v61;
	v63 =	vmov s8  }
0x53: {  	s22 =	sor.u32 $0x800, s7;
	s7 =	simm.s32 $0x20;
	v5 =	vadd.s32 v6, v5;
	s0 =	sadd.s32 s11, s1;
	v4 =	vbroadcast v62, $0x0;
	v6 =	vadd.s32 $0xFFFFFFFF, v63  }
0x54: {  	s1 =	sor.u32 s6, s22;
	v5 =	vsel vm0, v0, v5;
	v3 =	vadd.s32 v8, v3;
	s6 =	sadd.s32 $0x80000000, s0;
	s8 =	sand.u32 $0x50, s12;
	v6 =	vbroadcast v6, $0x0  }
0x55: {  	vm14 =	veq.s32 v1, $0x0;
	s7 =	sand.u32 $0x60, s7;
	[tilespmem:s1+$0x0] =	vst v5;
	v3 =	vsel vm1, v0, v3;
	s11 =	sadd.s32 s9, s6;
	s12 =	sor.u32 s8, s22;
	v4 =	vadd.s32 v9, v4  }
0x56: {  	s0 =	simm.s32 $0x70;
	v1 =	vmov s11;
	[tilespmem:s12+$0x0] =	vst v3;
	s11 =	sor.u32 s7, s22;
	s12 =	sand.u32 $0x70, s10;
	v3 =	vsel vm14, v0, v4;
	v2 =	vadd.s32 v54, v6  }
0x57: {  	s7 =	simm.s32 $0xB0;
	v1 =	vadd.s32 $0xFFFFFFFF, v1;
	s1 =	sor.u32 s12, s22;
	s22 =	simm.s32 $0x100;
	[tilespmem:s11+$0x0] =	vst v3;
	v2 =	vsel vm15, v0, v2  }
.LBB2_4:
0x58: {  	p0 =	sne.s32 s7, $0x3F0  }
0x59: {  	s10 =	sshra.s32 s22, $0x2;
	[tilespmem:s1+$0x0] =	vst v2;
	s8 =	smov.u32 s7;
	s7 =	sadd.s32 $0x40, s7  }
0x5a: {  	v2 =	vld [tilespmem:s10+$0x0];
	_ =	sdelay $0x1  }
0x5b: {  	v3 =	vld [tilespmem:s10+$0x10];
	_ =	sdelay $0x1  }
0x5c: {  	v4 =	vld [tilespmem:s10+$0x20]  }
0x5d: {  	(xrf0) =	vadd.scan.msk.s32 $0xffff, v2  }
0x5e: {  	v5 =	vld [tilespmem:s10+$0x30]  }
0x5f: {  	(xrf0) =	vadd.scan.msk.s32 $0xffff, v3;
	_ =	sdelay $0x1  }
0x60: {  	(xrf0) =	vadd.scan.msk.s32 $0xffff, v4  }
0x61: {  	v1 =	vbroadcast v1, $0x0;
	s1 =	sand.u32 $0xE00, s22  }
0x62: {  	s1 =	sshrl.u32 s1, $0x2;
	s10 =	sadd.s32 $0xFFFFFFD0, s0;
	v6, _, _ =	vpop (xrf0);
	(xrf0) =	vadd.scan.msk.s32 $0xffff, v5  }
0x63: {  	s1 =	sor.u32 $0x800, s1;
	vm0 =	veq.s32 v2, $0x0;
	s10 =	sand.u32 $0x40, s10;
	v7 =	vxor.u32 $0x80000000, v6;
	v1 =	vadd.s32 v6, v1  }
0x64: {  	s10 =	sor.u32 s10, s1;
	v8 =	vsel vm0, v0, v1;
	v2, _, _ =	vpop (xrf0);
	(xrf0) =	vmax.scan.msk.u32 $0xffff, v7  }
0x65: {  	v6 =	vxor.u32 $0x80000000, v2;
	[tilespmem:s10+$0x0] =	vst v8  }
0x66: {  	v1, _, _ =	vpop (xrf0);
	(xrf0) =	vmax.scan.msk.u32 $0xffff, v6  }
0x67: {  	v6 =	vxor.u32 $0x80000000, v1  }
0x68: {  	v7, _, _ =	vpop (xrf0);
	(xrf0) =	vmax.scan.msk.u32 $0xffff, v6  }
0x69: {  	v6 =	vxor.u32 $0x80000000, v7  }
0x6a: {  	v8, _, _ =	vpop (xrf0);
	(xrf0) =	vmax.scan.msk.u32 $0xffff, v6  }
0x6b: {  	(v2sf) =	vpush v8, $0xF  }
0x6c: {  	v6, _, _ =	vpop (xrf0)  }
0x6d: {  	(v2sf) =	vpush v6, $0xF  }
0x6e: {  	v6, _, _ =	vpop (xrf0)  }
0x6f: {  	(v2sf) =	vpush v6, $0xF  }
0x70: {  	v6, _, _ =	vpop (xrf0)  }
0x71: {  	(v2sf) =	vpush v6, $0xF;
	_ =	sdelay $0x8  }
0x72: {  	s10 =	spop (v2sf)  }
0x73: {  	s6 =	sadd.s32 s10, s6  }
0x74: {  	s6 =	sadd.s32 $0x80000000, s6;
	s10 =	spop (v2sf)  }
0x75: {  	s11 =	sadd.s32 s9, s6;
	s6 =	sadd.s32 s10, s6  }
0x76: {  	v6 =	vmov s11;
	s6 =	sadd.s32 $0x80000000, s6;
	s10 =	spop (v2sf)  }
0x77: {  	v6 =	vadd.s32 $0xFFFFFFFF, v6;
	s11 =	sadd.s32 s9, s6;
	s6 =	sadd.s32 s10, s6  }
0x78: {  	v6 =	vbroadcast v6, $0x0;
	v8 =	vmov s11;
	s6 =	sadd.s32 $0x80000000, s6;
	s10 =	spop (v2sf)  }
0x79: {  	vm0 =	veq.s32 v3, $0x0;
	s11 =	sadd.s32 $0xFFFFFFE0, s0;
	v3 =	vadd.s32 $0xFFFFFFFF, v8;
	s12 =	sadd.s32 s9, s6;
	s6 =	sadd.s32 s10, s6  }
0x7a: {  	s10 =	sand.u32 $0x50, s11;
	s11 =	sadd.s32 $0xFFFFFFF0, s0;
	v2 =	vadd.s32 v2, v6;
	v3 =	vbroadcast v3, $0x0;
	v6 =	vmov s12;
	s6 =	sadd.s32 $0x80000000, s6  }
.Ltmp1:
0x7b: {  	s10 =	sor.u32 s10, s1;
	s12 =	sadd.s32 s9, s6;
	v2 =	vsel vm0, v0, v2;
	vm0 =	veq.s32 v4, $0x0;
	v4 =	vadd.s32 $0xFFFFFFFF, v6;
	(pc) =	sbr.rel @p0 .LBB2_4-.Ltmp1, $4  }
0x7c: {  	v6 =	vmov s12;
	[tilespmem:s10+$0x0] =	vst v2;
	v2 =	vadd.s32 v1, v3;
	s10 =	sand.u32 $0x60, s11;
	v3 =	vbroadcast v4, $0x0  }
0x7d: {  	v1 =	vadd.s32 $0xFFFFFFFF, v6;
	v2 =	vsel vm0, v0, v2;
	s10 =	sor.u32 s10, s1  }
0x7e: {  	vm0 =	veq.s32 v5, $0x0;
	[tilespmem:s10+$0x0] =	vst v2;
	v2 =	vadd.s32 v7, v3;
	s10 =	sand.u32 $0x70, s0;
	s0 =	smov.u32 s8  }
0x7f: {  	s22 =	sadd.s32 $0x100, s22;
	v2 =	vsel vm0, v0, v2;
	s1 =	sor.u32 s10, s1  }
0x80: {  	s7 =	sshra.s32 s22, $0x2;
	[tilespmem:s1+$0x0] =	vst v2  }
0x81: {  	v2 =	vld [tilespmem:s7+$0x0];
	_ =	sdelay $0x1  }
0x82: {  	v3 =	vld [tilespmem:s7+$0x10];
	_ =	sdelay $0x1  }
0x83: {  	v4 =	vld [tilespmem:s7+$0x20]  }
0x84: {  	(xrf0) =	vadd.scan.msk.s32 $0xffff, v2;
	_ =	sdelay $0x1  }
0x85: {  	v5 =	vld [tilespmem:s7+$0x30];
	(xrf0) =	vadd.scan.msk.s32 $0xffff, v3;
	_ =	sdelay $0x1  }
0x86: {  	(xrf0) =	vadd.scan.msk.s32 $0xffff, v4;
	_ =	sdelay $0x1  }
0x87: {  	v6, _, _ =	vpop (xrf0)  }
0x88: {  	(xrf0) =	vadd.scan.msk.s32 $0xffff, v5;
	v7 =	vxor.u32 $0x80000000, v6  }
0x89: {  	v8, _, _ =	vpop (xrf0);
	(xrf0) =	vmax.scan.msk.u32 $0xffff, v7  }
0x8a: {  	v56 =	vxor.u32 $0x80000000, v8  }
0x8b: {  	v9, _, _ =	vpop (xrf0);
	(xrf0) =	vmax.scan.msk.u32 $0xffff, v56  }
0x8c: {  	v57 =	vxor.u32 $0x80000000, v9  }
0x8d: {  	(xrf0) =	vmax.scan.msk.u32 $0xffff, v57  }
0x8e: {  	v58, _, _ =	vpop (xrf0)  }
0x8f: {  	v10, _, _ =	vpop (xrf0)  }
0x90: {  	(v2sf) =	vpush v10, $0xF  }
0x91: {  	v59, _, _ =	vpop (xrf0)  }
0x92: {  	(v2sf) =	vpush v59, $0xF  }
0x93: {  	v60, _, _ =	vpop (xrf0)  }
0x94: {  	(v2sf) =	vpush v60, $0xF;
	_ =	sdelay $0x1  }
0x95: {  	v61 =	vxor.u32 $0x80000000, v58  }
0x96: {  	(xrf0) =	vmax.scan.msk.u32 $0xffff, v61;
	_ =	sdelay $0x5  }
0x97: {  	v10, _, _ =	vpop (xrf0)  }
0x98: {  	(v2sf) =	vpush v10, $0xF  }
0x99: {  	s10 =	spop (v2sf)  }
0x9a: {  	s1 =	sadd.s32 s10, s6  }
0x9b: {  	s11 =	spop (v2sf);
	s1 =	sadd.s32 $0x80000000, s1  }
0x9c: {  	s6 =	sadd.s32 s11, s1  }
0x9d: {  	s12 =	spop (v2sf);
	s6 =	sadd.s32 $0x80000000, s6  }
0x9e: {  	v1 =	vbroadcast v1, $0x0;
	s1 =	sadd.s32 s9, s1;
	s7 =	sadd.s32 s12, s6  }
0x9f: {  	vm0 =	veq.s32 v2, $0x0;
	v2 =	vmov s1;
	s6 =	sadd.s32 s9, s6;
	s8 =	sadd.s32 $0x80000000, s7  }
0xa0: {  	v1 =	vadd.s32 v6, v1;
	s10 =	sand.u32 $0xE00, s22;
	v2 =	vadd.s32 $0xFFFFFFFF, v2;
	v62 =	vmov s6;
	s11 =	sadd.s32 s9, s8  }
0xa1: {  	s12 =	sadd.s32 $0xFFFFFFD0, s0;
	s7 =	sshrl.u32 s10, $0x2;
	v2 =	vbroadcast v2, $0x0;
	v6 =	vadd.s32 $0xFFFFFFFF, v62;
	v63 =	vmov s11  }
0xa2: {  	vm13 =	veq.s32 v3, $0x0;
	s22 =	sand.u32 $0x40, s12;
	s6 =	sor.u32 $0x800, s7;
	s8 =	sadd.s32 $0xFFFFFFE0, s0;
	v6 =	vbroadcast v6, $0x0;
	v10 =	vadd.s32 $0xFFFFFFFF, v63  }
0xa3: {  	v1 =	vsel vm0, v0, v1;
	v2 =	vadd.s32 v8, v2;
	s1 =	sor.u32 s22, s6;
	s7 =	sand.u32 $0x50, s8;
	s8 =	sadd.s32 $0xFFFFFFF0, s0;
	v3 =	vbroadcast v10, $0x0  }
0xa4: {  	vm14 =	veq.s32 v4, $0x0;
	[tilespmem:s1+$0x0] =	vst v1;
	v1 =	vsel vm13, v0, v2;
	s10 =	sor.u32 s7, s6;
	s11 =	sand.u32 $0x60, s8;
	v2 =	vadd.s32 v9, v6  }
0xa5: {  	vm15 =	veq.s32 v5, $0x0;
	s22 =	sand.u32 $0x70, s0;
	[tilespmem:s10+$0x0] =	vst v1;
	s12 =	sor.u32 s11, s6;
	v1 =	vsel vm14, v0, v2;
	v2 =	vadd.s32 v58, v3  }
0xa6: {  	s0 =	sor.u32 s22, s6;
	[tilespmem:s12+$0x0] =	vst v1;
	v1 =	vsel vm15, v0, v2  }
0xa7: {  	s1 =	spop (v2sf);
	[tilespmem:s0+$0x0] =	vst v1  }
0xa8: {  	_ =	swait.ge [sflag:s4], $0x4000  }
0xa9: {  	[sflag:s4] =	ssyncset.done $0x0  }
0xaa: {  	s0 =	simm.s32 $0x800;
	[sflag:s4] =	ssyncadd.s32 $0xFFFFC000  }
0xab: {  	[hbm4b:s5+s25] =	stream.indirect.scatter [tilespmem:s18], [sflag:$0x5], $0x80, s0, s25, $0xb8;
	[tilespmem:$0x10C00] =	vst v63  }
0xac: {  	_ =	swait.ge [sflag:s28], $0x4000  }
0xad: {  	[sflag:s28] =	ssyncset.done $0x0  }
0xae: {  	s6 =	simm.s32 $0x880;
	[sflag:s28] =	ssyncadd.s32 $0xFFFFC000  }
0xaf: {  	[hbm4b:s5+s25] =	stream.indirect.scatter [tilespmem:s19], [sflag:$0x6], $0x80, s6, s25, $0xb8;
	[tilespmem:$0x10C00] =	vst v63  }
0xb0: {  	_ =	swait.ge [sflag:s30], $0x4000  }
0xb1: {  	[sflag:s30] =	ssyncset.done $0x0  }
0xb2: {  	s7 =	simm.s32 $0x900;
	[sflag:s30] =	ssyncadd.s32 $0xFFFFC000  }
0xb3: {  	[hbm4b:s5+s25] =	stream.indirect.scatter [tilespmem:s20], [sflag:$0x7], $0x80, s7, s25, $0xb8;
	[tilespmem:$0x10C00] =	vst v63  }
0xb4: {  	_ =	swait.ge [sflag:s2], $0x4000  }
0xb5: {  	[sflag:s2] =	ssyncset.done $0x0  }
0xb6: {  	[sflag:s2] =	ssyncadd.s32 $0xFFFFC000  }
0xb7: {  	_ =	swait.ge [sflag:s23], $0x4000  }
0xb8: {  	[sflag:s23] =	ssyncset.done $0x0  }
0xb9: {  	[sflag:s23] =	ssyncadd.s32 $0xFFFFC000  }
0xba: {  	[tilespmem:s18], [sflag:$0x1] =	stream.linear.gather [hbm4b:s13+s3], $0x4000, $0x38;
	[tilespmem:$0x10C00] =	vst v63  }
0xbb: {  	s8 =	simm.s32 $0x980  }
0xbc: {  	[hbm4b:s5+s25] =	stream.indirect.scatter [tilespmem:s21], [sflag:$0x8], $0x80, s8, s25, $0xb8;
	[tilespmem:$0x10C00] =	vst v63  }
0xbd: {  	_ =	swait.ge [sflag:s4], $0x4000  }
0xbe: {  	[sflag:s4] =	ssyncset.done $0x0  }
0xbf: {  	[sflag:s4] =	ssyncadd.s32 $0xFFFFC000  }
0xc0: {  	_ =	swait.ge [sflag:s24], $0x4000  }
0xc1: {  	[sflag:s24] =	ssyncset.done $0x0  }
0xc2: {  	[sflag:s24] =	ssyncadd.s32 $0xFFFFC000  }
0xc3: {  	[tilespmem:s19], [sflag:$0x2] =	stream.linear.gather [hbm4b:s14+s3], $0x4000, $0x38;
	[tilespmem:$0x10C00] =	vst v63  }
0xc4: {  	s10 =	simm.s32 $0xA00  }
0xc5: {  	[hbm4b:s5+s25] =	stream.indirect.scatter [tilespmem:s18], [sflag:$0x5], $0x80, s10, s25, $0xb8;
	[tilespmem:$0x10C00] =	vst v63  }
0xc6: {  	_ =	swait.ge [sflag:s28], $0x4000  }
0xc7: {  	[sflag:s28] =	ssyncset.done $0x0  }
0xc8: {  	[sflag:s28] =	ssyncadd.s32 $0xFFFFC000  }
0xc9: {  	_ =	swait.ge [sflag:s26], $0x4000  }
0xca: {  	[sflag:s26] =	ssyncset.done $0x0  }
0xcb: {  	[sflag:s26] =	ssyncadd.s32 $0xFFFFC000  }
0xcc: {  	[tilespmem:s20], [sflag:$0x3] =	stream.linear.gather [hbm4b:s15+s3], $0x4000, $0x38;
	[tilespmem:$0x10C00] =	vst v63  }
0xcd: {  	s11 =	simm.s32 $0xA80  }
0xce: {  	[hbm4b:s5+s25] =	stream.indirect.scatter [tilespmem:s19], [sflag:$0x6], $0x80, s11, s25, $0xb8;
	[tilespmem:$0x10C00] =	vst v63  }
0xcf: {  	_ =	swait.ge [sflag:s30], $0x4000  }
0xd0: {  	[sflag:s30] =	ssyncset.done $0x0  }
0xd1: {  	[sflag:s30] =	ssyncadd.s32 $0xFFFFC000  }
0xd2: {  	_ =	swait.ge [sflag:s31], $0x4000  }
0xd3: {  	[sflag:s31] =	ssyncset.done $0x0  }
0xd4: {  	[sflag:s31] =	ssyncadd.s32 $0xFFFFC000  }
0xd5: {  	[tilespmem:s21], [sflag:$0x4] =	stream.linear.gather [hbm4b:s16+s3], $0x4000, $0x38;
	[tilespmem:$0x10C00] =	vst v63  }
0xd6: {  	s12 =	simm.s32 $0xB00  }
0xd7: {  	[hbm4b:s5+s25] =	stream.indirect.scatter [tilespmem:s20], [sflag:$0x7], $0x80, s12, s25, $0xb8;
	[tilespmem:$0x10C00] =	vst v63  }
0xd8: {  	_ =	swait.ge [sflag:s2], $0x4000  }
0xd9: {  	[sflag:s2] =	ssyncset.done $0x0  }
0xda: {  	s22 =	simm.s32 $0xB80;
	[sflag:s2] =	ssyncadd.s32 $0xFFFFC000  }
0xdb: {  	[hbm4b:s5+s25] =	stream.indirect.scatter [tilespmem:s21], [sflag:$0x8], $0x80, s22, s25, $0xb8;
	[tilespmem:$0x10C00] =	vst v63  }
0xdc: {  	_ =	swait.ge [sflag:s23], $0x4000  }
0xdd: {  	[sflag:s23] =	ssyncset.done $0x0  }
0xde: {  	[sflag:s23] =	ssyncadd.s32 $0xFFFFC000  }
0xdf: {  	_ =	swait.ge [sflag:s24], $0x4000  }
0xe0: {  	[sflag:s24] =	ssyncset.done $0x0  }
0xe1: {  	s29 =	sadd.s32 $0x1, s29;
	[sflag:s24] =	ssyncadd.s32 $0xFFFFC000  }
0xe2: {  	p0 =	sne.s32 s29, s17;
	_ =	swait.ge [sflag:s26], $0x4000  }
.Ltmp2:
0xe3: {  	[sflag:s26] =	ssyncset.done $0x0;
	(pc) =	sbr.rel @p0 .LBB2_1-.Ltmp2, $4  }
0xe4: {  	[sflag:s26] =	ssyncadd.s32 $0xFFFFC000  }
0xe5: {  	_ =	swait.ge [sflag:s31], $0x4000  }
0xe6: {  	[sflag:s31] =	ssyncset.done $0x0  }
0xe7: {  	[sflag:s31] =	ssyncadd.s32 $0xFFFFC000  }
0xe8: {  	_ =	sfence.sel $0x180000  }
0xe9: {  	[bflag:$0x0] =	sbarrier.arrive $0xFFFF  }
0xea: {  	_ =	strace $0x90000047  }
0xeb: {  	s0 =	stileid.u32;
	[bflag:$0x2] =	sbarrier.arrive $0xFFFF  }
0xec: {  	p0 =	sne.s32 s0, $0x0;
	s0 =	rddreg [dreg:$0x1]  }
0xed: {  	s0 =	sadd.s32 @!p0 $0x100000, s0  }
0xee: {  	[sflag:s0] =	ssyncadd.tile.s32 @!p0 $0x1;
	_ =	shalt  }
.Lfunc_end2:
_tile_overlayer_lowered:
.L_overlay_start_2:
0xef: {  	(tag) =	ssettag $0x2  }
0xf0: {  	s0 =	rddreg [dreg:$0x0];
	s2 =	stileid.u32  }
0xf1: {  	s1 =	rddreg [dreg:$0x1];
	p0 =	sne.s32 s2, $0x0  }
0xf2: {  	s3 =	rddreg [dreg:$0x2];
	[bflag:$0x3] =	sbarrier.arrive $0xFFFF;
	s2 =	simm.s32 @!p0 $0x1C09  }
0xf3: {  	[timem:s3], [sflag:s2] =	dma.local @!p0 [hbm:s0], s1  }
0xf4: {  	s0 =	simm.s32 @!p0 $0x9  }
0xf5: {  	_ =	swait.ge @!p0 [sflag:s0], s1  }
0xf6: {  	s1 =	ssub.s32 @!p0 $0x0, s1;
	[sflag:s0] =	ssyncset.done @!p0 $0x0  }
0xf7: {  	[sflag:s0] =	ssyncadd.s32 @!p0 s1  }
0xf8: {  	[bflag:$0x3] =	sbarrier.arrive $0xFFFF  }
0xf9: {  	_ =	shalt  }

</sc_bundles>
